<compile_context>
chip_gen: v7x
topology: tpu7x:2x2x1
jax: 0.10.2.dev20260603
libtpu: 0.0.44.dev20260713+nightly
codegen_flags: <defaults>
</compile_context>

<pallas_src>
import functools

import jax
import jax.numpy as jnp
from jax.experimental import pallas as pl
from jax.experimental.pallas import tpu as pltpu
from jax.experimental.pallas import tpu_sc as plsc



def _router_body(x_ref, gwt_ref, gb_ref, rb_ref, idx_ref, w_ref, *, n_exp):
    x = x_ref[...]
    logits = jnp.dot(x, gwt_ref[...], preferred_element_type=jnp.float32)
    logits = logits + gb_ref[...]
    m = jnp.max(logits, axis=-1, keepdims=True)
    p = jnp.exp(logits - m)
    probas = p / jnp.sum(p, axis=-1, keepdims=True)
    biased = probas + rb_ref[...]
    col = jax.lax.broadcasted_iota(jnp.int32, biased.shape, 1)
    i1 = jnp.argmax(biased, axis=-1, keepdims=True).astype(jnp.int32)
    biased2 = jnp.where(col == i1, -1e30, biased)
    i2 = jnp.argmax(biased2, axis=-1, keepdims=True).astype(jnp.int32)
    p1 = jnp.sum(jnp.where(col == i1, probas, 0.0), axis=-1, keepdims=True)
    p2 = jnp.sum(jnp.where(col == i2, probas, 0.0), axis=-1, keepdims=True)
    tot = p1 + p2
    idx_ref[...] = jnp.concatenate([i1, i2], axis=1)
    w_ref[...] = jnp.concatenate([p1 / tot, p2 / tot], axis=1)


def _router(x2d, gW, gb, router_biases):
    n, emb = x2d.shape
    n_exp = gW.shape[0]
    ep = 128
    tm = 512
    gwt = jnp.zeros((emb, ep), jnp.float32).at[:, :n_exp].set(gW.T)
    neg = jnp.full((1, ep), -1e30, jnp.float32)
    gbp = neg.at[0, :n_exp].set(gb)
    rbp = neg.at[0, :n_exp].set(router_biases)
    idx, w = pl.pallas_call(
        functools.partial(_router_body, n_exp=n_exp),
        grid=(n // tm,),
        in_specs=[
            pl.BlockSpec((tm, emb), lambda i: (i, 0)),
            pl.BlockSpec((emb, ep), lambda i: (0, 0)),
            pl.BlockSpec((1, ep), lambda i: (0, 0)),
            pl.BlockSpec((1, ep), lambda i: (0, 0)),
        ],
        out_specs=[
            pl.BlockSpec((tm, 2), lambda i: (i, 0)),
            pl.BlockSpec((tm, 2), lambda i: (i, 0)),
        ],
        out_shape=[
            jax.ShapeDtypeStruct((n, 2), jnp.int32),
            jax.ShapeDtypeStruct((n, 2), jnp.float32),
        ],
    )(x2d, gwt, gbp, rbp)
    return idx, w



def _sc_gather_rows(src, idx2d):
    m = idx2d.shape[1]
    d = src.shape[1]
    window = 128
    mesh = plsc.VectorSubcoreMesh(core_axis_name="core", subcore_axis_name="subcore")

    @functools.partial(
        pl.kernel,
        out_type=jax.ShapeDtypeStruct((m, d), src.dtype),
        mesh=mesh,
    )
    def gather_kernel(x_hbm, i_hbm, o_hbm):
        def body(i_vmem, o_vmem):
            pltpu.sync_copy(x_hbm.at[i_vmem.at[0]], o_vmem)

        pltpu.emit_pipeline(
            body,
            grid=(m // window,),
            in_specs=[pl.BlockSpec((1, window), lambda i: (0, i))],
            out_specs=[pl.BlockSpec((window, d), lambda i: (i, 0))],
            core_axis_name=("core", "subcore"),
            dimension_semantics=(pltpu.PARALLEL,),
        )(i_hbm, o_hbm)

    return gather_kernel(src, idx2d)


def _sc_scatter_rows(src, idx2d):
    rows, d = src.shape
    m = idx2d.shape[1]
    window = 128
    n_src_blocks = rows // window
    mesh = plsc.VectorSubcoreMesh(core_axis_name="core", subcore_axis_name="subcore")

    @functools.partial(
        pl.kernel,
        out_type=jax.ShapeDtypeStruct((m, d), src.dtype),
        mesh=mesh,
    )
    def scatter_kernel(x_hbm, i_hbm, o_hbm):
        def body(x_vmem, i_vmem):
            pltpu.sync_copy(x_vmem, o_hbm.at[i_vmem.at[0]])

        pltpu.emit_pipeline(
            body,
            grid=(m // window,),
            in_specs=[
                pl.BlockSpec((window, d), lambda i: (i % n_src_blocks, 0)),
                pl.BlockSpec((1, window), lambda i: (0, i)),
            ],
            out_specs=[],
            core_axis_name=("core", "subcore"),
            dimension_semantics=(pltpu.PARALLEL,),
        )(x_hbm, i_hbm)

    return scatter_kernel(src, idx2d)



def _grouped_body(sgid_ref, stile_ref, rs_ref, re_ref,
                  x_ref, w1_ref, wg_ref, w2_ref, o_ref,
                  w1b_ref, wgb_ref, w2b_ref, *, tm):
    s = pl.program_id(0)
    prev_gid = sgid_ref[jnp.maximum(s - 1, 0)]
    new_expert = jnp.logical_or(s == 0, sgid_ref[s] != prev_gid)

    @pl.when(new_expert)
    def _():
        w1b_ref[...] = w1_ref[0].astype(jnp.bfloat16)
        wgb_ref[...] = wg_ref[0].astype(jnp.bfloat16)
        w2b_ref[...] = w2_ref[0].astype(jnp.bfloat16)

    x = x_ref[...].astype(jnp.bfloat16)
    a = jnp.dot(x, w1b_ref[...], preferred_element_type=jnp.float32)
    b = jnp.dot(x, wgb_ref[...], preferred_element_type=jnp.float32)
    h = (a * jax.lax.logistic(a) * b).astype(jnp.bfloat16)
    o = jnp.dot(h, w2b_ref[...], preferred_element_type=jnp.float32)
    rows = stile_ref[s] * tm + jax.lax.broadcasted_iota(jnp.int32, (tm, 1), 0)
    keep = (rows >= rs_ref[s]) & (rows < re_ref[s])
    o = jnp.where(keep, o, 0.0)
    prev_tile = stile_ref[jnp.maximum(s - 1, 0)]
    first_visit = jnp.logical_or(s == 0, stile_ref[s] != prev_tile)
    o_ref[...] = jnp.where(first_visit, o, o_ref[...] + o)


def _grouped_ffn(xs, W1, Wg, W2, sgid, stile, rs, re, tm, n_steps):
    a_total, emb = xs.shape
    hid = W1.shape[2]
    return pl.pallas_call(
        functools.partial(_grouped_body, tm=tm),
        grid_spec=pltpu.PrefetchScalarGridSpec(
            num_scalar_prefetch=4,
            grid=(n_steps,),
            in_specs=[
                pl.BlockSpec((tm, emb), lambda s, g, t, a, b: (t[s], 0)),
                pl.BlockSpec((1, emb, hid), lambda s, g, t, a, b: (g[s], 0, 0)),
                pl.BlockSpec((1, emb, hid), lambda s, g, t, a, b: (g[s], 0, 0)),
                pl.BlockSpec((1, hid, emb), lambda s, g, t, a, b: (g[s], 0, 0)),
            ],
            out_specs=pl.BlockSpec((tm, emb), lambda s, g, t, a, b: (t[s], 0)),
            scratch_shapes=[
                pltpu.VMEM((emb, hid), jnp.bfloat16),
                pltpu.VMEM((emb, hid), jnp.bfloat16),
                pltpu.VMEM((hid, emb), jnp.bfloat16),
            ],
        ),
        out_shape=jax.ShapeDtypeStruct((a_total, emb), jnp.float32),
    )(sgid, stile, rs, re, xs, W1, Wg, W2)



def _shared_body(x_ref, w1_ref, b1_ref, w2_ref, b2_ref, g_ref, w_ref, o_ref,
                 w1b_ref, w2b_ref, *, emb):
    @pl.when(pl.program_id(0) == 0)
    def _():
        w1b_ref[...] = w1_ref[...].astype(jnp.bfloat16)
        w2b_ref[...] = w2_ref[...].astype(jnp.bfloat16)

    x = x_ref[...].astype(jnp.bfloat16)
    h = jnp.dot(x, w1b_ref[...], preferred_element_type=jnp.float32) + b1_ref[...]
    h = (h * jax.lax.logistic(h)).astype(jnp.bfloat16)
    o = jnp.dot(h, w2b_ref[...], preferred_element_type=jnp.float32) + b2_ref[...]
    g = g_ref[...]
    w = w_ref[...]
    o_ref[...] = o + w[:, 0:1] * g[:, :emb] + w[:, 1:2] * g[:, emb:]


def _shared_combine(x2d, sW1, sb1, sW2, sb2, g2, w):
    n, emb = x2d.shape
    hid = sW1.shape[2]
    h2 = 2 * hid
    tm = 256
    w1c = jnp.concatenate([sW1[0], sW1[1]], axis=1)
    b1c = sb1.reshape(1, h2)
    w2c = sW2.reshape(h2, emb)
    b2c = (sb2[0] + sb2[1]).reshape(1, emb)
    return pl.pallas_call(
        functools.partial(_shared_body, emb=emb),
        grid=(n // tm,),
        in_specs=[
            pl.BlockSpec((tm, emb), lambda i: (i, 0)),
            pl.BlockSpec((emb, h2), lambda i: (0, 0)),
            pl.BlockSpec((1, h2), lambda i: (0, 0)),
            pl.BlockSpec((h2, emb), lambda i: (0, 0)),
            pl.BlockSpec((1, emb), lambda i: (0, 0)),
            pl.BlockSpec((tm, 2 * emb), lambda i: (i, 0)),
            pl.BlockSpec((tm, 2), lambda i: (i, 0)),
        ],
        out_specs=pl.BlockSpec((tm, emb), lambda i: (i, 0)),
        out_shape=jax.ShapeDtypeStruct((n, emb), jnp.float32),
        scratch_shapes=[
            pltpu.VMEM((emb, h2), jnp.bfloat16),
            pltpu.VMEM((h2, emb), jnp.bfloat16),
        ],
    )(x2d, w1c, b1c, w2c, b2c, g2, w)



def _metadata_body(idx_ref, pos_ref, sgid_ref, stile_ref, rs_ref, re_ref,
                   *, n_exp, tm, n_steps_pad, n_tok):
    f32 = jnp.float32
    idx = idx_ref[...]
    e_iota = jax.lax.broadcasted_iota(jnp.int32, (n_tok, n_exp), 1)
    oh0 = (idx[:, 0:1] == e_iota).astype(f32)
    oh1 = (idx[:, 1:2] == e_iota).astype(f32)

    ohb = jnp.concatenate([oh0, oh1], axis=1)
    acc = ohb
    sh = 1
    while sh < n_tok:
        acc = acc + jnp.concatenate(
            [jnp.zeros((sh, 2 * n_exp), f32), acc[: n_tok - sh, :]], axis=0)
        sh *= 2
    tot = acc[n_tok - 1:n_tok, :]
    tot0 = tot[:, :n_exp]
    tot1 = tot[:, n_exp:]
    ex0 = acc[:, :n_exp] - oh0
    ex1 = acc[:, n_exp:] - oh1
    counts = tot0 + tot1

    def _lane_prefix_excl(v):
        acc = v
        sh = 1
        while sh < n_exp:
            acc = acc + jnp.concatenate(
                [jnp.zeros((1, sh), f32), acc[:, : n_exp - sh]], axis=1)
            sh *= 2
        return acc - v

    offs = _lane_prefix_excl(counts)
    pos0 = jnp.sum(jnp.where(oh0 > 0.5, ex0 + offs, 0.0),
                   axis=1, keepdims=True)
    pos1 = jnp.sum(jnp.where(oh1 > 0.5, ex1 + offs + tot0, 0.0),
                   axis=1, keepdims=True)
    pos_ref[...] = jnp.round(
        jnp.concatenate([pos0, pos1], axis=1)).astype(jnp.int32)

    ends = offs + counts
    tfirst = jnp.floor(offs / tm)
    tlast = jnp.where(counts > 0, jnp.floor((ends - 1) / tm), tfirst)
    steps_g = jnp.where(counts > 0, tlast - tfirst + 1, 0.0)
    cs = _lane_prefix_excl(steps_g) + steps_g
    total = jnp.sum(steps_g)
    s_iota = jax.lax.broadcasted_iota(
        jnp.int32, (n_steps_pad, 1), 0).astype(f32)
    cs_b = jnp.broadcast_to(cs, (n_steps_pad, n_exp))
    sgid = jnp.sum((cs_b <= s_iota).astype(f32), axis=1, keepdims=True)
    sgid = jnp.minimum(sgid, float(n_exp - 1))
    onehot_sg = (sgid == jax.lax.broadcasted_iota(
        jnp.int32, (n_steps_pad, n_exp), 1).astype(f32))
    onehot_sg = onehot_sg.astype(f32)

    def gath(v):
        return jnp.sum(onehot_sg * v, axis=1, keepdims=True)

    within = s_iota - (gath(cs) - gath(steps_g))
    stile = gath(tfirst) + within
    valid = s_iota < total
    n_tiles = float(2 * n_tok // tm)
    stile = jnp.where(valid, stile, n_tiles - 1)
    rs = jnp.where(valid, jnp.maximum(gath(offs), stile * tm), 0.0)
    re = jnp.where(valid, jnp.minimum(gath(ends), (stile + 1) * tm), 0.0)
    sgid_ref[...] = sgid.astype(jnp.int32)
    stile_ref[...] = stile.astype(jnp.int32)
    rs_ref[...] = rs.astype(jnp.int32)
    re_ref[...] = re.astype(jnp.int32)


def _dispatch_metadata(idx, n_exp, tm):
    n_tok = idx.shape[0]
    n_tiles = 2 * n_tok // tm
    n_steps = n_tiles + n_exp - 1
    n_steps_pad = ((n_steps + 7) // 8) * 8
    pos01, sgid, stile, rs, re = pl.pallas_call(
        functools.partial(_metadata_body, n_exp=n_exp, tm=tm,
                          n_steps_pad=n_steps_pad, n_tok=n_tok),
        grid=(1,),
        in_specs=[pl.BlockSpec((n_tok, 2), lambda i: (0, 0))],
        out_specs=[
            pl.BlockSpec((n_tok, 2), lambda i: (0, 0)),
            pl.BlockSpec((n_steps_pad, 1), lambda i: (0, 0)),
            pl.BlockSpec((n_steps_pad, 1), lambda i: (0, 0)),
            pl.BlockSpec((n_steps_pad, 1), lambda i: (0, 0)),
            pl.BlockSpec((n_steps_pad, 1), lambda i: (0, 0)),
        ],
        out_shape=[
            jax.ShapeDtypeStruct((n_tok, 2), jnp.int32),
            jax.ShapeDtypeStruct((n_steps_pad, 1), jnp.int32),
            jax.ShapeDtypeStruct((n_steps_pad, 1), jnp.int32),
            jax.ShapeDtypeStruct((n_steps_pad, 1), jnp.int32),
            jax.ShapeDtypeStruct((n_steps_pad, 1), jnp.int32),
        ],
    )(idx)
    return (pos01, sgid.reshape(-1), stile.reshape(-1), rs.reshape(-1),
            re.reshape(-1), n_steps_pad)



def kernel(x, W1, Wg, W2, sW1, sb1, sW2, sb2, gW, gb, router_biases):
    b, s_, emb = x.shape
    x2d = x.reshape(-1, emb)
    n = x2d.shape[0]
    n_exp = W1.shape[0]
    tm = 512

    idx, w = _router(x2d, gW, gb, router_biases)
    pos01, sgid, stile, rs, re, n_steps = _dispatch_metadata(idx, n_exp, tm)

    half = jnp.arange(2, dtype=jnp.int32)
    s_idx = (pos01.T.reshape(-1, 1) * 2 + half).reshape(1, -1)
    g_idx = (pos01.reshape(-1, 1) * 2 + half).reshape(1, -1)

    xs = _sc_scatter_rows(x2d.reshape(2 * n, emb // 2), s_idx)
    ys = _grouped_ffn(xs.reshape(2 * n, emb), W1, Wg, W2,
                      sgid, stile, rs, re, tm, n_steps)
    g = _sc_gather_rows(ys.reshape(4 * n, emb // 2), g_idx)
    g2 = g.reshape(n, 2 * emb)
    out = _shared_combine(x2d, sW1, sb1, sW2, sb2, g2, w)
    return out.reshape(b, s_, emb)

# --- scband reference (transcript-rebuilt; emitter-appended) ---
"""Pipeline reference for scband-deep-seek-mo-e-61014305407522 (READ-ONLY COPY).

The authoritative reference and input builder live on the scoring server;
editing this copy changes nothing except your own understanding.
"""

import jax, jax.numpy as jnp
import numpy as np

B, S, EMB = 2, 2048, 768
HID = 768  # int(0.25 * 3072), scaling_factor = 1/(top_k + num_shared) = 0.25
E_ROUTED, E_SHARED, TOP_K = 14, 2, 2


def setup_inputs(seed: int = 0) -> dict:
    key = jax.random.key(seed)
    ks = jax.random.split(key, 8)
    s = 0.02
    return {
        "x": jax.random.normal(ks[0], (B, S, EMB), dtype=jnp.float32),
        "W1": jax.random.normal(ks[1], (E_ROUTED, EMB, HID), dtype=jnp.float32) * s,
        "Wg": jax.random.normal(ks[2], (E_ROUTED, EMB, HID), dtype=jnp.float32) * s,
        "W2": jax.random.normal(ks[3], (E_ROUTED, HID, EMB), dtype=jnp.float32) * s,
        "sW1": jax.random.normal(ks[4], (E_SHARED, EMB, HID), dtype=jnp.float32) * s,
        "sb1": jnp.zeros((E_SHARED, HID), dtype=jnp.float32),
        "sW2": jax.random.normal(ks[5], (E_SHARED, HID, EMB), dtype=jnp.float32) * s,
        "sb2": jnp.zeros((E_SHARED, EMB), dtype=jnp.float32),
        "gW": jax.random.normal(ks[6], (E_ROUTED, EMB), dtype=jnp.float32) * s,
        "gb": jnp.zeros((E_ROUTED,), dtype=jnp.float32),
        "router_biases": jnp.zeros((E_ROUTED,), dtype=jnp.float32),
    }


def reference(x, W1, Wg, W2, sW1, sb1, sW2, sb2, gW, gb, router_biases):
    b, s_, emb = x.shape
    x2d = x.reshape(-1, emb)
    # shared experts: vectorized SwiGLU-less FFN (lin1 -> silu -> lin2), summed over shared experts
    xs = x[:, None, :, :]  # (b, 1, s, emb) broadcasts against (E_SHARED, emb, hid)
    h = jnp.matmul(xs, sW1) + sb1[None, :, None, :]
    h = jax.nn.silu(h)
    so = jnp.matmul(h, sW2) + sb2[None, :, None, :]
    output = jnp.sum(so, axis=1).reshape(-1, emb)
    # router
    logits = x2d @ gW.T + gb
    probas = jax.nn.softmax(logits, axis=-1)
    biased = probas + router_biases
    _, topk_idxs = jax.lax.top_k(biased, TOP_K)
    topk_p = jnp.take_along_axis(probas, topk_idxs, axis=-1)
    topk_p = topk_p / jnp.sum(topk_p, axis=-1, keepdims=True)
    # routed experts: dense masked dispatch, weighted add
    n_routed = W1.shape[0]
    for e in range(n_routed):
        w = jnp.sum(jnp.where(topk_idxs == e, topk_p, 0.0), axis=-1)[:, None]
        eo = (jax.nn.silu(x2d @ W1[e]) * (x2d @ Wg[e])) @ W2[e]
        output = output + eo * w
    return output.reshape(b, s_, emb)

if __name__ == "__main__":
    import jax
    _d = setup_inputs()
    print(jax.jit(kernel)(*tuple(_d.values())))

</pallas_src>

<mosaic_0001>
#map = affine_map<(d0, d1) -> (0, 0)>
module attributes {stable_mosaic.version = 14 : i64} {
  func.func @scatter_kernel(%arg0: i32, %arg1: i32, %arg2: memref<8192x384xf32, #tpu.memory_space<hbm>>, %arg3: memref<1x16384xi32, #tpu.memory_space<hbm>>, %arg4: memref<16384x384xf32, #tpu.memory_space<hbm>>) attributes {dimension_semantics = [#tpu.dimension_semantics<core_parallel>, #tpu.dimension_semantics<subcore_parallel>], iteration_bounds = array<i64: 2, 16>, scalar_prefetch = 0 : i64, scratch_operands = 0 : i64, tpu.core_type = #tpu.core_type<sc_vector_subcore>, window_params = [{transform_indices = #map}, {transform_indices = #map}, {transform_indices = #map}]} {
    %mul3A = arith.constant 1 : i32
    %mul3A_0 = arith.muli %arg1, %mul3A : i32
    %add3A = arith.constant 0 : i32
    %add3A_1 = arith.addi %add3A, %mul3A_0 : i32
    %mul3A_2 = arith.constant 16 : i32
    %mul3A_3 = arith.muli %arg0, %mul3A_2 : i32
    %add3A_4 = arith.addi %add3A_1, %mul3A_3 : i32
    %mul3A_5 = arith.constant 4 : i32
    %mul3A_6 = arith.muli %add3A_4, %mul3A_5 : i32
    "tpu.region"() ({
      %run_scoped3A = memref.alloca() : memref<2x128x384xf32, #tpu.memory_space<vmem>>
      %run_scoped3A_7 = tpu.sem_alloc : memref<2x!tpu.dma_semaphore, #tpu.memory_space<semaphore_mem>>
      %run_scoped3A_8 = memref.alloca() : memref<2x1x128xi32, #tpu.memory_space<vmem>>
      %run_scoped3A_9 = tpu.sem_alloc : memref<2x!tpu.dma_semaphore, #tpu.memory_space<semaphore_mem>>
      %add3A_10 = arith.constant 0 : i32
      %add3A_11 = arith.addi %add3A_10, %mul3A_6 : i32
      %select_n3A = arith.constant true
      %select_n3A_12 = arith.constant 0 : i32
      %select_n3A_13 = arith.constant -1 : i32
      %select_n3A_14 = arith.select %select_n3A, %select_n3A_13, %select_n3A_12 : i32
      %eq3A = arith.constant -1 : i32
      %eq3A_15 = arith.cmpi eq, %select_n3A_14, %eq3A : i32
      %select_n3A_16 = arith.constant 3 : i32
      %select_n3A_17 = arith.select %eq3A_15, %select_n3A_16, %select_n3A_14 : i32
      %add3A_18 = arith.addi %select_n3A_17, %mul3A_6 : i32
      %select_n3A_19 = arith.constant true
      %select_n3A_20 = arith.constant 0 : i32
      %select_n3A_21 = arith.constant 1 : i32
      %select_n3A_22 = arith.select %select_n3A_19, %select_n3A_21, %select_n3A_20 : i32
      %eq3A_23 = arith.constant 4 : i32
      %eq3A_24 = arith.cmpi eq, %select_n3A_22, %eq3A_23 : i32
      %select_n3A_25 = arith.constant 0 : i32
      %select_n3A_26 = arith.select %eq3A_24, %select_n3A_25, %select_n3A_22 : i32
      %add3A_27 = arith.addi %select_n3A_26, %mul3A_6 : i32
      %add3A_28 = arith.constant 1 : i32
      %add3A_29 = arith.addi %select_n3A_26, %add3A_28 : i32
      %select_n3A_30 = arith.constant true
      %select_n3A_31 = arith.select %select_n3A_30, %add3A_29, %select_n3A_26 : i32
      %eq3A_32 = arith.constant 4 : i32
      %eq3A_33 = arith.cmpi eq, %select_n3A_31, %eq3A_32 : i32
      %select_n3A_34 = arith.constant 0 : i32
      %select_n3A_35 = arith.select %eq3A_33, %select_n3A_34, %select_n3A_31 : i32
      %add3A_36 = arith.addi %select_n3A_35, %mul3A_6 : i32
      "tpu.trace_start"() <{level = 10 : i32, message = "ep_initialize_0"}> : () -> ()
      %rem3A = arith.constant 0 : i32
      %rem3A_37 = arith.constant 2 : i32
      %rem3A_38 = arith.remui %rem3A, %rem3A_37 : i32
      %jit3A = arith.constant 64 : i32
      %eq3A_39 = arith.constant 0 : i32
      %eq3A_40 = arith.cmpi eq, %jit3A, %eq3A_39 : i32
      %jit3A_41 = arith.constant 1 : i32
      %select_n3A_42 = arith.select %eq3A_40, %jit3A_41, %jit3A : i32
      %rem3A_43 = arith.remsi %add3A_11, %select_n3A_42 : i32
      %ne3A = arith.constant 0 : i32
      %ne3A_44 = arith.cmpi ne, %rem3A_43, %ne3A : i32
      %lt3A = arith.constant 0 : i32
      %lt3A_45 = arith.cmpi slt, %rem3A_43, %lt3A : i32
      %lt3A_46 = arith.constant 0 : i32
      %lt3A_47 = arith.cmpi slt, %select_n3A_42, %lt3A_46 : i32
      %ne3A_48 = arith.xori %lt3A_45, %lt3A_47 : i1
      %and3A = arith.andi %ne3A_48, %ne3A_44 : i1
      %add3A_49 = arith.addi %rem3A_43, %select_n3A_42 : i32
      %select_n3A_50 = arith.select %and3A, %add3A_49, %rem3A_43 : i32
      %mul3A_51 = arith.constant 128 : i32
      %mul3A_52 = arith.muli %mul3A_51, %select_n3A_50 : i32
      %dma_start3A = arith.constant 0 : i32
      %dma_start3A_53 = arith.constant 0 : i32
      %dma_start3A_54 = tpu.memref_slice %run_scoped3A[%rem3A_38, %dma_start3A, %dma_start3A_53] : memref<2x128x384xf32, #tpu.memory_space<vmem>> -> memref<1x128x384xf32, #tpu.memory_space<vmem>>
      %dma_start3A_55 = tpu.memref_squeeze %dma_start3A_54 : memref<1x128x384xf32, #tpu.memory_space<vmem>> -> memref<128x384xf32, #tpu.memory_space<vmem>>
      %dma_start3A_56 = arith.constant 0 : i32
      %dma_start3A_57 = tpu.memref_slice %arg2[%mul3A_52, %dma_start3A_56] : memref<8192x384xf32, #tpu.memory_space<hbm>> -> memref<128x384xf32, #tpu.memory_space<hbm>>
      %dma_start3A_58 = tpu.memref_slice %run_scoped3A_7[%rem3A_38] : memref<2x!tpu.dma_semaphore, #tpu.memory_space<semaphore_mem>> -> memref<1x!tpu.dma_semaphore, #tpu.memory_space<semaphore_mem>>
      %dma_start3A_59 = tpu.memref_squeeze %dma_start3A_58 : memref<1x!tpu.dma_semaphore, #tpu.memory_space<semaphore_mem>> -> memref<!tpu.dma_semaphore, #tpu.memory_space<semaphore_mem>>
      %dma_start3A_60 = arith.constant 0 : i32
      %dma_start3A_61 = arith.constant 0 : i32
      %dma_start3A_62 = tpu.memref_slice %run_scoped3A[%rem3A_38, %dma_start3A_60, %dma_start3A_61] : memref<2x128x384xf32, #tpu.memory_space<vmem>> -> memref<1x128x384xf32, #tpu.memory_space<vmem>>
      %dma_start3A_63 = tpu.memref_squeeze %dma_start3A_62 : memref<1x128x384xf32, #tpu.memory_space<vmem>> -> memref<128x384xf32, #tpu.memory_space<vmem>>
      %dma_start3A_64 = arith.constant 0 : i32
      %dma_start3A_65 = tpu.memref_slice %arg2[%mul3A_52, %dma_start3A_64] : memref<8192x384xf32, #tpu.memory_space<hbm>> -> memref<128x384xf32, #tpu.memory_space<hbm>>
      tpu.enqueue_dma source(%dma_start3A_65 : memref<128x384xf32, #tpu.memory_space<hbm>>) target(%dma_start3A_63 : memref<128x384xf32, #tpu.memory_space<vmem>>) target_semaphore(%dma_start3A_59 : memref<!tpu.dma_semaphore, #tpu.memory_space<semaphore_mem>>)
      %add3A_66 = arith.constant 0 : i32
      %add3A_67 = arith.constant 1 : i32
      %add3A_68 = arith.addi %add3A_66, %add3A_67 : i32
      %select_n3A_69 = arith.constant true
      %select_n3A_70 = arith.constant 0 : i32
      %select_n3A_71 = arith.select %select_n3A_69, %add3A_68, %select_n3A_70 : i32
      %rem3A_72 = arith.constant 0 : i32
      %rem3A_73 = arith.constant 2 : i32
      %rem3A_74 = arith.remui %rem3A_72, %rem3A_73 : i32
      %mul3A_75 = arith.constant 128 : i32
      %mul3A_76 = arith.muli %mul3A_75, %add3A_11 : i32
      %dma_start3A_77 = arith.constant 0 : i32
      %dma_start3A_78 = arith.constant 0 : i32
      %dma_start3A_79 = tpu.memref_slice %run_scoped3A_8[%rem3A_74, %dma_start3A_77, %dma_start3A_78] : memref<2x1x128xi32, #tpu.memory_space<vmem>> -> memref<1x1x128xi32, #tpu.memory_space<vmem>>
      %dma_start3A_80 = tpu.memref_squeeze %dma_start3A_79 : memref<1x1x128xi32, #tpu.memory_space<vmem>> -> memref<1x128xi32, #tpu.memory_space<vmem>>
      %dma_start3A_81 = arith.constant 0 : i32
      %dma_start3A_82 = tpu.memref_slice %arg3[%dma_start3A_81, %mul3A_76] : memref<1x16384xi32, #tpu.memory_space<hbm>> -> memref<1x128xi32, #tpu.memory_space<hbm>>
      %dma_start3A_83 = tpu.memref_slice %run_scoped3A_9[%rem3A_74] : memref<2x!tpu.dma_semaphore, #tpu.memory_space<semaphore_mem>> -> memref<1x!tpu.dma_semaphore, #tpu.memory_space<semaphore_mem>>
      %dma_start3A_84 = tpu.memref_squeeze %dma_start3A_83 : memref<1x!tpu.dma_semaphore, #tpu.memory_space<semaphore_mem>> -> memref<!tpu.dma_semaphore, #tpu.memory_space<semaphore_mem>>
      %dma_start3A_85 = arith.constant 0 : i32
      %dma_start3A_86 = arith.constant 0 : i32
      %dma_start3A_87 = tpu.memref_slice %run_scoped3A_8[%rem3A_74, %dma_start3A_85, %dma_start3A_86] : memref<2x1x128xi32, #tpu.memory_space<vmem>> -> memref<1x1x128xi32, #tpu.memory_space<vmem>>
      %dma_start3A_88 = tpu.memref_squeeze %dma_start3A_87 : memref<1x1x128xi32, #tpu.memory_space<vmem>> -> memref<1x128xi32, #tpu.memory_space<vmem>>
      %dma_start3A_89 = arith.constant 0 : i32
      %dma_start3A_90 = tpu.memref_slice %arg3[%dma_start3A_89, %mul3A_76] : memref<1x16384xi32, #tpu.memory_space<hbm>> -> memref<1x128xi32, #tpu.memory_space<hbm>>
      tpu.enqueue_dma source(%dma_start3A_90 : memref<1x128xi32, #tpu.memory_space<hbm>>) target(%dma_start3A_88 : memref<1x128xi32, #tpu.memory_space<vmem>>) target_semaphore(%dma_start3A_84 : memref<!tpu.dma_semaphore, #tpu.memory_space<semaphore_mem>>)
      %add3A_91 = arith.constant 0 : i32
      %add3A_92 = arith.constant 1 : i32
      %add3A_93 = arith.addi %add3A_91, %add3A_92 : i32
      %select_n3A_94 = arith.constant true
      %select_n3A_95 = arith.constant 0 : i32
      %select_n3A_96 = arith.select %select_n3A_94, %add3A_93, %select_n3A_95 : i32
      "tpu.trace_stop"() : () -> ()
      %scan3A = arith.constant 0 : i32
      %scan3A_97 = arith.constant 0 : i32
      %scan3A_98 = arith.constant 0 : i32
      %scan3A_99 = arith.constant 0 : i32
      %scan3A_100 = arith.constant 4 : i32
      %scan3A_101 = arith.addi %scan3A_99, %scan3A_100 : i32
      %scan3A_102 = arith.constant 1 : i32
      %scan3A_103:5 = scf.for %scan3A_140 = %scan3A_99 to %scan3A_101 step %scan3A_102 iter_args(%scan3A_141 = %select_n3A_71, %scan3A_142 = %scan3A, %scan3A_143 = %select_n3A_96, %scan3A_144 = %scan3A_97, %scan3A_145 = %scan3A_98) -> (i32, i32, i32, i32, i32)  : i32 {
        %eq3A_146 = arith.constant 0 : i32
        %eq3A_147 = arith.cmpi eq, %scan3A_140, %eq3A_146 : i32
        %eq3A_148 = arith.constant 3 : i32
        %eq3A_149 = arith.cmpi eq, %scan3A_140, %eq3A_148 : i32
        %add3A_150 = arith.addi %scan3A_145, %mul3A_6 : i32
        %sub3A_151 = arith.constant 1 : i32
        %sub3A_152 = arith.subi %scan3A_145, %sub3A_151 : i32
        %select_n3A_153 = arith.constant true
        %select_n3A_154 = arith.select %select_n3A_153, %sub3A_152, %scan3A_145 : i32
        %eq3A_155 = arith.constant -1 : i32
        %eq3A_156 = arith.cmpi eq, %select_n3A_154, %eq3A_155 : i32
        %select_n3A_157 = arith.constant 3 : i32
        %select_n3A_158 = arith.select %eq3A_156, %select_n3A_157, %select_n3A_154 : i32
        %add3A_159 = arith.addi %select_n3A_158, %mul3A_6 : i32
        %add3A_160 = arith.constant 1 : i32
        %add3A_161 = arith.addi %scan3A_145, %add3A_160 : i32
        %select_n3A_162 = arith.constant true
        %select_n3A_163 = arith.select %select_n3A_162, %add3A_161, %scan3A_145 : i32
        %eq3A_164 = arith.constant 4 : i32
        %eq3A_165 = arith.cmpi eq, %select_n3A_163, %eq3A_164 : i32
        %select_n3A_166 = arith.constant 0 : i32
        %select_n3A_167 = arith.select %eq3A_165, %select_n3A_166, %select_n3A_163 : i32
        %add3A_168 = arith.addi %select_n3A_167, %mul3A_6 : i32
        %add3A_169 = arith.constant 1 : i32
        %add3A_170 = arith.addi %select_n3A_167, %add3A_169 : i32
        %select_n3A_171 = arith.constant true
        %select_n3A_172 = arith.select %select_n3A_171, %add3A_170, %select_n3A_167 : i32
        %eq3A_173 = arith.constant 4 : i32
        %eq3A_174 = arith.cmpi eq, %select_n3A_172, %eq3A_173 : i32
        %select_n3A_175 = arith.constant 0 : i32
        %select_n3A_176 = arith.select %eq3A_174, %select_n3A_175, %select_n3A_172 : i32
        %add3A_177 = arith.addi %select_n3A_176, %mul3A_6 : i32
        %jit3A_178 = arith.constant 64 : i32
        %eq3A_179 = arith.constant 0 : i32
        %eq3A_180 = arith.cmpi eq, %jit3A_178, %eq3A_179 : i32
        %jit3A_181 = arith.constant 1 : i32
        %select_n3A_182 = arith.select %eq3A_180, %jit3A_181, %jit3A_178 : i32
        %rem3A_183 = arith.remsi %add3A_150, %select_n3A_182 : i32
        %ne3A_184 = arith.constant 0 : i32
        %ne3A_185 = arith.cmpi ne, %rem3A_183, %ne3A_184 : i32
        %lt3A_186 = arith.constant 0 : i32
        %lt3A_187 = arith.cmpi slt, %rem3A_183, %lt3A_186 : i32
        %lt3A_188 = arith.constant 0 : i32
        %lt3A_189 = arith.cmpi slt, %select_n3A_182, %lt3A_188 : i32
        %ne3A_190 = arith.xori %lt3A_187, %lt3A_189 : i1
        %and3A_191 = arith.andi %ne3A_190, %ne3A_185 : i1
        %add3A_192 = arith.addi %rem3A_183, %select_n3A_182 : i32
        %select_n3A_193 = arith.select %and3A_191, %add3A_192, %rem3A_183 : i32
        %jit3A_194 = arith.constant 64 : i32
        %eq3A_195 = arith.constant 0 : i32
        %eq3A_196 = arith.cmpi eq, %jit3A_194, %eq3A_195 : i32
        %jit3A_197 = arith.constant 1 : i32
        %select_n3A_198 = arith.select %eq3A_196, %jit3A_197, %jit3A_194 : i32
        %rem3A_199 = arith.remsi %add3A_168, %select_n3A_198 : i32
        %ne3A_200 = arith.constant 0 : i32
        %ne3A_201 = arith.cmpi ne, %rem3A_199, %ne3A_200 : i32
        %lt3A_202 = arith.constant 0 : i32
        %lt3A_203 = arith.cmpi slt, %rem3A_199, %lt3A_202 : i32
        %lt3A_204 = arith.constant 0 : i32
        %lt3A_205 = arith.cmpi slt, %select_n3A_198, %lt3A_204 : i32
        %ne3A_206 = arith.xori %lt3A_203, %lt3A_205 : i1
        %and3A_207 = arith.andi %ne3A_206, %ne3A_201 : i1
        %add3A_208 = arith.addi %rem3A_199, %select_n3A_198 : i32
        %select_n3A_209 = arith.select %and3A_207, %add3A_208, %rem3A_199 : i32
        %ne3A_210 = arith.cmpi ne, %select_n3A_193, %select_n3A_209 : i32
        %or3A = arith.constant false
        %or3A_211 = arith.ori %or3A, %ne3A_210 : i1
        %or3A_212 = arith.constant false
        %or3A_213 = arith.ori %or3A_211, %or3A_212 : i1
        %ge3A = arith.constant 3 : i32
        %ge3A_214 = arith.cmpi sge, %scan3A_140, %ge3A : i32
        %not3A = arith.constant true
        %not3A_215 = arith.xori %ge3A_214, %not3A : i1
        %and3A_216 = arith.andi %or3A_213, %not3A_215 : i1
        %convert_element_type3A = arith.extui %and3A_216 : i1 to i32
        %cond3A = arith.constant 0 : i32
        %cond3A_217 = arith.cmpi ne, %convert_element_type3A, %cond3A : i32
        scf.if %cond3A_217 {
          "tpu.trace_start"() <{level = 10 : i32, message = "ep_copy_in"}> : () -> ()
          %rem3A_456 = arith.constant 2 : i32
          %rem3A_457 = arith.remui %scan3A_141, %rem3A_456 : i32
          %jit3A_458 = arith.constant 64 : i32
          %eq3A_459 = arith.constant 0 : i32
          %eq3A_460 = arith.cmpi eq, %jit3A_458, %eq3A_459 : i32
          %jit3A_461 = arith.constant 1 : i32
          %select_n3A_462 = arith.select %eq3A_460, %jit3A_461, %jit3A_458 : i32
          %rem3A_463 = arith.remsi %add3A_168, %select_n3A_462 : i32
          %ne3A_464 = arith.constant 0 : i32
          %ne3A_465 = arith.cmpi ne, %rem3A_463, %ne3A_464 : i32
          %lt3A_466 = arith.constant 0 : i32
          %lt3A_467 = arith.cmpi slt, %rem3A_463, %lt3A_466 : i32
          %lt3A_468 = arith.constant 0 : i32
          %lt3A_469 = arith.cmpi slt, %select_n3A_462, %lt3A_468 : i32
          %ne3A_470 = arith.xori %lt3A_467, %lt3A_469 : i1
          %and3A_471 = arith.andi %ne3A_470, %ne3A_465 : i1
          %add3A_472 = arith.addi %rem3A_463, %select_n3A_462 : i32
          %select_n3A_473 = arith.select %and3A_471, %add3A_472, %rem3A_463 : i32
          %mul3A_474 = arith.constant 128 : i32
          %mul3A_475 = arith.muli %mul3A_474, %select_n3A_473 : i32
          %dma_start3A_476 = arith.constant 0 : i32
          %dma_start3A_477 = arith.constant 0 : i32
          %dma_start3A_478 = tpu.memref_slice %run_scoped3A[%rem3A_457, %dma_start3A_476, %dma_start3A_477] : memref<2x128x384xf32, #tpu.memory_space<vmem>> -> memref<1x128x384xf32, #tpu.memory_space<vmem>>
          %dma_start3A_479 = tpu.memref_squeeze %dma_start3A_478 : memref<1x128x384xf32, #tpu.memory_space<vmem>> -> memref<128x384xf32, #tpu.memory_space<vmem>>
          %dma_start3A_480 = arith.constant 0 : i32
          %dma_start3A_481 = tpu.memref_slice %arg2[%mul3A_475, %dma_start3A_480] : memref<8192x384xf32, #tpu.memory_space<hbm>> -> memref<128x384xf32, #tpu.memory_space<hbm>>
          %dma_start3A_482 = tpu.memref_slice %run_scoped3A_7[%rem3A_457] : memref<2x!tpu.dma_semaphore, #tpu.memory_space<semaphore_mem>> -> memref<1x!tpu.dma_semaphore, #tpu.memory_space<semaphore_mem>>
          %dma_start3A_483 = tpu.memref_squeeze %dma_start3A_482 : memref<1x!tpu.dma_semaphore, #tpu.memory_space<semaphore_mem>> -> memref<!tpu.dma_semaphore, #tpu.memory_space<semaphore_mem>>
          %dma_start3A_484 = arith.constant 0 : i32
          %dma_start3A_485 = arith.constant 0 : i32
          %dma_start3A_486 = tpu.memref_slice %run_scoped3A[%rem3A_457, %dma_start3A_484, %dma_start3A_485] : memref<2x128x384xf32, #tpu.memory_space<vmem>> -> memref<1x128x384xf32, #tpu.memory_space<vmem>>
          %dma_start3A_487 = tpu.memref_squeeze %dma_start3A_486 : memref<1x128x384xf32, #tpu.memory_space<vmem>> -> memref<128x384xf32, #tpu.memory_space<vmem>>
          %dma_start3A_488 = arith.constant 0 : i32
          %dma_start3A_489 = tpu.memref_slice %arg2[%mul3A_475, %dma_start3A_488] : memref<8192x384xf32, #tpu.memory_space<hbm>> -> memref<128x384xf32, #tpu.memory_space<hbm>>
          tpu.enqueue_dma source(%dma_start3A_489 : memref<128x384xf32, #tpu.memory_space<hbm>>) target(%dma_start3A_487 : memref<128x384xf32, #tpu.memory_space<vmem>>) target_semaphore(%dma_start3A_483 : memref<!tpu.dma_semaphore, #tpu.memory_space<semaphore_mem>>)
          "tpu.trace_stop"() : () -> ()
        } else {
        }
        %and3A_218 = arith.constant true
        %and3A_219 = arith.andi %and3A_216, %and3A_218 : i1
        %add3A_220 = arith.constant 1 : i32
        %add3A_221 = arith.addi %scan3A_141, %add3A_220 : i32
        %select_n3A_222 = arith.select %and3A_219, %add3A_221, %scan3A_141 : i32
        %ne3A_223 = arith.cmpi ne, %add3A_150, %add3A_168 : i32
        %or3A_224 = arith.constant false
        %or3A_225 = arith.ori %or3A_224, %ne3A_223 : i1
        %ge3A_226 = arith.constant 3 : i32
        %ge3A_227 = arith.cmpi sge, %scan3A_140, %ge3A_226 : i32
        %not3A_228 = arith.constant true
        %not3A_229 = arith.xori %ge3A_227, %not3A_228 : i1
        %and3A_230 = arith.andi %or3A_225, %not3A_229 : i1
        %convert_element_type3A_231 = arith.extui %and3A_230 : i1 to i32
        %cond3A_232 = arith.constant 0 : i32
        %cond3A_233 = arith.cmpi ne, %convert_element_type3A_231, %cond3A_232 : i32
        scf.if %cond3A_233 {
          "tpu.trace_start"() <{level = 10 : i32, message = "ep_copy_in"}> : () -> ()
          %rem3A_456 = arith.constant 2 : i32
          %rem3A_457 = arith.remui %scan3A_143, %rem3A_456 : i32
          %mul3A_458 = arith.constant 128 : i32
          %mul3A_459 = arith.muli %mul3A_458, %add3A_168 : i32
          %dma_start3A_460 = arith.constant 0 : i32
          %dma_start3A_461 = arith.constant 0 : i32
          %dma_start3A_462 = tpu.memref_slice %run_scoped3A_8[%rem3A_457, %dma_start3A_460, %dma_start3A_461] : memref<2x1x128xi32, #tpu.memory_space<vmem>> -> memref<1x1x128xi32, #tpu.memory_space<vmem>>
          %dma_start3A_463 = tpu.memref_squeeze %dma_start3A_462 : memref<1x1x128xi32, #tpu.memory_space<vmem>> -> memref<1x128xi32, #tpu.memory_space<vmem>>
          %dma_start3A_464 = arith.constant 0 : i32
          %dma_start3A_465 = tpu.memref_slice %arg3[%dma_start3A_464, %mul3A_459] : memref<1x16384xi32, #tpu.memory_space<hbm>> -> memref<1x128xi32, #tpu.memory_space<hbm>>
          %dma_start3A_466 = tpu.memref_slice %run_scoped3A_9[%rem3A_457] : memref<2x!tpu.dma_semaphore, #tpu.memory_space<semaphore_mem>> -> memref<1x!tpu.dma_semaphore, #tpu.memory_space<semaphore_mem>>
          %dma_start3A_467 = tpu.memref_squeeze %dma_start3A_466 : memref<1x!tpu.dma_semaphore, #tpu.memory_space<semaphore_mem>> -> memref<!tpu.dma_semaphore, #tpu.memory_space<semaphore_mem>>
          %dma_start3A_468 = arith.constant 0 : i32
          %dma_start3A_469 = arith.constant 0 : i32
          %dma_start3A_470 = tpu.memref_slice %run_scoped3A_8[%rem3A_457, %dma_start3A_468, %dma_start3A_469] : memref<2x1x128xi32, #tpu.memory_space<vmem>> -> memref<1x1x128xi32, #tpu.memory_space<vmem>>
          %dma_start3A_471 = tpu.memref_squeeze %dma_start3A_470 : memref<1x1x128xi32, #tpu.memory_space<vmem>> -> memref<1x128xi32, #tpu.memory_space<vmem>>
          %dma_start3A_472 = arith.constant 0 : i32
          %dma_start3A_473 = tpu.memref_slice %arg3[%dma_start3A_472, %mul3A_459] : memref<1x16384xi32, #tpu.memory_space<hbm>> -> memref<1x128xi32, #tpu.memory_space<hbm>>
          tpu.enqueue_dma source(%dma_start3A_473 : memref<1x128xi32, #tpu.memory_space<hbm>>) target(%dma_start3A_471 : memref<1x128xi32, #tpu.memory_space<vmem>>) target_semaphore(%dma_start3A_467 : memref<!tpu.dma_semaphore, #tpu.memory_space<semaphore_mem>>)
          "tpu.trace_stop"() : () -> ()
        } else {
        }
        %and3A_234 = arith.constant true
        %and3A_235 = arith.andi %and3A_230, %and3A_234 : i1
        %add3A_236 = arith.constant 1 : i32
        %add3A_237 = arith.addi %scan3A_143, %add3A_236 : i32
        %select_n3A_238 = arith.select %and3A_235, %add3A_237, %scan3A_143 : i32
        %jit3A_239 = arith.constant 64 : i32
        %eq3A_240 = arith.constant 0 : i32
        %eq3A_241 = arith.cmpi eq, %jit3A_239, %eq3A_240 : i32
        %jit3A_242 = arith.constant 1 : i32
        %select_n3A_243 = arith.select %eq3A_241, %jit3A_242, %jit3A_239 : i32
        %rem3A_244 = arith.remsi %add3A_150, %select_n3A_243 : i32
        %ne3A_245 = arith.constant 0 : i32
        %ne3A_246 = arith.cmpi ne, %rem3A_244, %ne3A_245 : i32
        %lt3A_247 = arith.constant 0 : i32
        %lt3A_248 = arith.cmpi slt, %rem3A_244, %lt3A_247 : i32
        %lt3A_249 = arith.constant 0 : i32
        %lt3A_250 = arith.cmpi slt, %select_n3A_243, %lt3A_249 : i32
        %ne3A_251 = arith.xori %lt3A_248, %lt3A_250 : i1
        %and3A_252 = arith.andi %ne3A_251, %ne3A_246 : i1
        %add3A_253 = arith.addi %rem3A_244, %select_n3A_243 : i32
        %select_n3A_254 = arith.select %and3A_252, %add3A_253, %rem3A_244 : i32
        %jit3A_255 = arith.constant 64 : i32
        %eq3A_256 = arith.constant 0 : i32
        %eq3A_257 = arith.cmpi eq, %jit3A_255, %eq3A_256 : i32
        %jit3A_258 = arith.constant 1 : i32
        %select_n3A_259 = arith.select %eq3A_257, %jit3A_258, %jit3A_255 : i32
        %rem3A_260 = arith.remsi %add3A_159, %select_n3A_259 : i32
        %ne3A_261 = arith.constant 0 : i32
        %ne3A_262 = arith.cmpi ne, %rem3A_260, %ne3A_261 : i32
        %lt3A_263 = arith.constant 0 : i32
        %lt3A_264 = arith.cmpi slt, %rem3A_260, %lt3A_263 : i32
        %lt3A_265 = arith.constant 0 : i32
        %lt3A_266 = arith.cmpi slt, %select_n3A_259, %lt3A_265 : i32
        %ne3A_267 = arith.xori %lt3A_264, %lt3A_266 : i1
        %and3A_268 = arith.andi %ne3A_267, %ne3A_262 : i1
        %add3A_269 = arith.addi %rem3A_260, %select_n3A_259 : i32
        %select_n3A_270 = arith.select %and3A_268, %add3A_269, %rem3A_260 : i32
        %ne3A_271 = arith.cmpi ne, %select_n3A_254, %select_n3A_270 : i32
        %or3A_272 = arith.constant false
        %or3A_273 = arith.ori %or3A_272, %ne3A_271 : i1
        %or3A_274 = arith.constant false
        %or3A_275 = arith.ori %or3A_273, %or3A_274 : i1
        %or3A_276 = arith.ori %or3A_275, %eq3A_147 : i1
        %convert_element_type3A_277 = arith.extui %or3A_276 : i1 to i32
        %cond3A_278 = arith.constant 0 : i32
        %cond3A_279 = arith.cmpi ne, %convert_element_type3A_277, %cond3A_278 : i32
        scf.if %cond3A_279 {
          %jit3A_456 = arith.constant 64 : i32
          "tpu.trace_start"() <{level = 10 : i32, message = "ep_wait_in"}> : () -> ()
          %eq3A_457 = arith.constant 0 : i32
          %eq3A_458 = arith.cmpi eq, %jit3A_456, %eq3A_457 : i32
          %jit3A_459 = arith.constant 1 : i32
          %select_n3A_460 = arith.select %eq3A_458, %jit3A_459, %jit3A_456 : i32
          %rem3A_461 = arith.remsi %add3A_150, %select_n3A_460 : i32
          %ne3A_462 = arith.constant 0 : i32
          %ne3A_463 = arith.cmpi ne, %rem3A_461, %ne3A_462 : i32
          %lt3A_464 = arith.constant 0 : i32
          %lt3A_465 = arith.cmpi slt, %rem3A_461, %lt3A_464 : i32
          %lt3A_466 = arith.constant 0 : i32
          %lt3A_467 = arith.cmpi slt, %select_n3A_460, %lt3A_466 : i32
          %ne3A_468 = arith.xori %lt3A_465, %lt3A_467 : i1
          %and3A_469 = arith.andi %ne3A_468, %ne3A_463 : i1
          %add3A_470 = arith.addi %rem3A_461, %select_n3A_460 : i32
          %select_n3A_471 = arith.select %and3A_469, %add3A_470, %rem3A_461 : i32
          %mul3A_472 = arith.constant 128 : i32
          %mul3A_473 = arith.muli %mul3A_472, %select_n3A_471 : i32
          %rem3A_474 = arith.constant 2 : i32
          %rem3A_475 = arith.remui %scan3A_142, %rem3A_474 : i32
          %dma_wait3A = arith.constant 0 : i32
          %dma_wait3A_476 = arith.constant 0 : i32
          %dma_wait3A_477 = tpu.memref_slice %run_scoped3A[%rem3A_475, %dma_wait3A, %dma_wait3A_476] : memref<2x128x384xf32, #tpu.memory_space<vmem>> -> memref<1x128x384xf32, #tpu.memory_space<vmem>>
          %dma_wait3A_478 = tpu.memref_squeeze %dma_wait3A_477 : memref<1x128x384xf32, #tpu.memory_space<vmem>> -> memref<128x384xf32, #tpu.memory_space<vmem>>
          %dma_wait3A_479 = arith.constant 0 : i32
          %dma_wait3A_480 = tpu.memref_slice %arg2[%mul3A_473, %dma_wait3A_479] : memref<8192x384xf32, #tpu.memory_space<hbm>> -> memref<128x384xf32, #tpu.memory_space<hbm>>
          %dma_wait3A_481 = tpu.memref_slice %run_scoped3A_7[%rem3A_475] : memref<2x!tpu.dma_semaphore, #tpu.memory_space<semaphore_mem>> -> memref<1x!tpu.dma_semaphore, #tpu.memory_space<semaphore_mem>>
          %dma_wait3A_482 = tpu.memref_squeeze %dma_wait3A_481 : memref<1x!tpu.dma_semaphore, #tpu.memory_space<semaphore_mem>> -> memref<!tpu.dma_semaphore, #tpu.memory_space<semaphore_mem>>
          %dma_wait3A_483 = arith.constant 0 : i32
          %dma_wait3A_484 = arith.constant 0 : i32
          %dma_wait3A_485 = tpu.memref_slice %run_scoped3A[%rem3A_475, %dma_wait3A_483, %dma_wait3A_484] : memref<2x128x384xf32, #tpu.memory_space<vmem>> -> memref<1x128x384xf32, #tpu.memory_space<vmem>>
          %dma_wait3A_486 = tpu.memref_squeeze %dma_wait3A_485 : memref<1x128x384xf32, #tpu.memory_space<vmem>> -> memref<128x384xf32, #tpu.memory_space<vmem>>
          %dma_wait3A_487 = arith.constant 0 : i32
          %dma_wait3A_488 = tpu.memref_slice %arg2[%mul3A_473, %dma_wait3A_487] : memref<8192x384xf32, #tpu.memory_space<hbm>> -> memref<128x384xf32, #tpu.memory_space<hbm>>
          tpu.wait_dma2 semaphore(%dma_wait3A_482 : memref<!tpu.dma_semaphore, #tpu.memory_space<semaphore_mem>>) src(%dma_wait3A_488 : memref<128x384xf32, #tpu.memory_space<hbm>>) dst(%dma_wait3A_486 : memref<128x384xf32, #tpu.memory_space<vmem>>)
          "tpu.trace_stop"() : () -> ()
        } else {
        }
        %ne3A_280 = arith.cmpi ne, %add3A_150, %add3A_159 : i32
        %or3A_281 = arith.constant false
        %or3A_282 = arith.ori %or3A_281, %ne3A_280 : i1
        %or3A_283 = arith.ori %or3A_282, %eq3A_147 : i1
        %convert_element_type3A_284 = arith.extui %or3A_283 : i1 to i32
        %cond3A_285 = arith.constant 0 : i32
        %cond3A_286 = arith.cmpi ne, %convert_element_type3A_284, %cond3A_285 : i32
        scf.if %cond3A_286 {
          "tpu.trace_start"() <{level = 10 : i32, message = "ep_wait_in"}> : () -> ()
          %mul3A_456 = arith.constant 128 : i32
          %mul3A_457 = arith.muli %mul3A_456, %add3A_150 : i32
          %rem3A_458 = arith.constant 2 : i32
          %rem3A_459 = arith.remui %scan3A_144, %rem3A_458 : i32
          %dma_wait3A = arith.constant 0 : i32
          %dma_wait3A_460 = arith.constant 0 : i32
          %dma_wait3A_461 = tpu.memref_slice %run_scoped3A_8[%rem3A_459, %dma_wait3A, %dma_wait3A_460] : memref<2x1x128xi32, #tpu.memory_space<vmem>> -> memref<1x1x128xi32, #tpu.memory_space<vmem>>
          %dma_wait3A_462 = tpu.memref_squeeze %dma_wait3A_461 : memref<1x1x128xi32, #tpu.memory_space<vmem>> -> memref<1x128xi32, #tpu.memory_space<vmem>>
          %dma_wait3A_463 = arith.constant 0 : i32
          %dma_wait3A_464 = tpu.memref_slice %arg3[%dma_wait3A_463, %mul3A_457] : memref<1x16384xi32, #tpu.memory_space<hbm>> -> memref<1x128xi32, #tpu.memory_space<hbm>>
          %dma_wait3A_465 = tpu.memref_slice %run_scoped3A_9[%rem3A_459] : memref<2x!tpu.dma_semaphore, #tpu.memory_space<semaphore_mem>> -> memref<1x!tpu.dma_semaphore, #tpu.memory_space<semaphore_mem>>
          %dma_wait3A_466 = tpu.memref_squeeze %dma_wait3A_465 : memref<1x!tpu.dma_semaphore, #tpu.memory_space<semaphore_mem>> -> memref<!tpu.dma_semaphore, #tpu.memory_space<semaphore_mem>>
          %dma_wait3A_467 = arith.constant 0 : i32
          %dma_wait3A_468 = arith.constant 0 : i32
          %dma_wait3A_469 = tpu.memref_slice %run_scoped3A_8[%rem3A_459, %dma_wait3A_467, %dma_wait3A_468] : memref<2x1x128xi32, #tpu.memory_space<vmem>> -> memref<1x1x128xi32, #tpu.memory_space<vmem>>
          %dma_wait3A_470 = tpu.memref_squeeze %dma_wait3A_469 : memref<1x1x128xi32, #tpu.memory_space<vmem>> -> memref<1x128xi32, #tpu.memory_space<vmem>>
          %dma_wait3A_471 = arith.constant 0 : i32
          %dma_wait3A_472 = tpu.memref_slice %arg3[%dma_wait3A_471, %mul3A_457] : memref<1x16384xi32, #tpu.memory_space<hbm>> -> memref<1x128xi32, #tpu.memory_space<hbm>>
          tpu.wait_dma2 semaphore(%dma_wait3A_466 : memref<!tpu.dma_semaphore, #tpu.memory_space<semaphore_mem>>) src(%dma_wait3A_472 : memref<1x128xi32, #tpu.memory_space<hbm>>) dst(%dma_wait3A_470 : memref<1x128xi32, #tpu.memory_space<vmem>>)
          "tpu.trace_stop"() : () -> ()
        } else {
        }
        %rem3A_287 = arith.constant 2 : i32
        %rem3A_288 = arith.remui %scan3A_142, %rem3A_287 : i32
        %rem3A_289 = arith.constant 2 : i32
        %rem3A_290 = arith.remui %scan3A_144, %rem3A_289 : i32
        %run_scoped3A_291 = arith.constant 0 : i32
        "tpu.trace_start"() <{level = 10 : i32, message = "ep_run_kernel"}> : () -> ()
        "tpu.region"() ({
          %run_scoped3A_456 = tpu.sem_alloc : memref<!tpu.dma_semaphore, #tpu.memory_space<semaphore_mem>>
          %dma_start3A_457 = arith.constant 0 : i32
          %dma_start3A_458 = arith.constant 0 : i32
          %dma_start3A_459 = tpu.memref_slice %run_scoped3A[%rem3A_288, %dma_start3A_457, %dma_start3A_458] : memref<2x128x384xf32, #tpu.memory_space<vmem>> -> memref<1x128x384xf32, #tpu.memory_space<vmem>>
          %dma_start3A_460 = tpu.memref_squeeze %dma_start3A_459 : memref<1x128x384xf32, #tpu.memory_space<vmem>> -> memref<128x384xf32, #tpu.memory_space<vmem>>
          %dma_start3A_461 = arith.constant 0 : i32
          %dma_start3A_462 = arith.constant 0 : i32
          %dma_start3A_463 = tpu.memref_slice %run_scoped3A_8[%rem3A_290, %dma_start3A_461, %dma_start3A_462] : memref<2x1x128xi32, #tpu.memory_space<vmem>> -> memref<1x1x128xi32, #tpu.memory_space<vmem>>
          %dma_start3A_464 = tpu.memref_squeeze %dma_start3A_463 : memref<1x1x128xi32, #tpu.memory_space<vmem>> -> memref<1x128xi32, #tpu.memory_space<vmem>>
          %dma_start3A_465 = arith.constant 0 : i32
          %dma_start3A_466 = tpu.memref_slice %dma_start3A_464[%run_scoped3A_291, %dma_start3A_465] : memref<1x128xi32, #tpu.memory_space<vmem>> -> memref<1x128xi32, #tpu.memory_space<vmem>>
          %dma_start3A_467 = tpu.memref_squeeze %dma_start3A_466 : memref<1x128xi32, #tpu.memory_space<vmem>> -> memref<128xi32, #tpu.memory_space<vmem>>
          %dma_start3A_468 = arith.constant 0 : i32
          %dma_start3A_469 = arith.constant 0 : i32
          %dma_start3A_470 = tpu.memref_slice %arg4[%dma_start3A_468, %dma_start3A_469] : memref<16384x384xf32, #tpu.memory_space<hbm>> -> memref<16384x384xf32, #tpu.memory_space<hbm>>
          tpu.enqueue_indirect_dma source(%dma_start3A_460 : memref<128x384xf32, #tpu.memory_space<vmem>>) target(%dma_start3A_470 : memref<16384x384xf32, #tpu.memory_space<hbm>>) offsets(%dma_start3A_467 : memref<128xi32, #tpu.memory_space<vmem>>) semaphore(%run_scoped3A_456 : memref<!tpu.dma_semaphore, #tpu.memory_space<semaphore_mem>>)
          %dma_wait3A = arith.constant 0 : i32
          %dma_wait3A_471 = arith.constant 0 : i32
          %dma_wait3A_472 = tpu.memref_slice %run_scoped3A[%rem3A_288, %dma_wait3A, %dma_wait3A_471] : memref<2x128x384xf32, #tpu.memory_space<vmem>> -> memref<1x128x384xf32, #tpu.memory_space<vmem>>
          %dma_wait3A_473 = tpu.memref_squeeze %dma_wait3A_472 : memref<1x128x384xf32, #tpu.memory_space<vmem>> -> memref<128x384xf32, #tpu.memory_space<vmem>>
          %dma_wait3A_474 = arith.constant 0 : i32
          %dma_wait3A_475 = arith.constant 0 : i32
          %dma_wait3A_476 = tpu.memref_slice %run_scoped3A_8[%rem3A_290, %dma_wait3A_474, %dma_wait3A_475] : memref<2x1x128xi32, #tpu.memory_space<vmem>> -> memref<1x1x128xi32, #tpu.memory_space<vmem>>
          %dma_wait3A_477 = tpu.memref_squeeze %dma_wait3A_476 : memref<1x1x128xi32, #tpu.memory_space<vmem>> -> memref<1x128xi32, #tpu.memory_space<vmem>>
          %dma_wait3A_478 = arith.constant 0 : i32
          %dma_wait3A_479 = tpu.memref_slice %dma_wait3A_477[%run_scoped3A_291, %dma_wait3A_478] : memref<1x128xi32, #tpu.memory_space<vmem>> -> memref<1x128xi32, #tpu.memory_space<vmem>>
          %dma_wait3A_480 = tpu.memref_squeeze %dma_wait3A_479 : memref<1x128xi32, #tpu.memory_space<vmem>> -> memref<128xi32, #tpu.memory_space<vmem>>
          %dma_wait3A_481 = arith.constant 0 : i32
          %dma_wait3A_482 = arith.constant 0 : i32
          %dma_wait3A_483 = tpu.memref_slice %arg4[%dma_wait3A_481, %dma_wait3A_482] : memref<16384x384xf32, #tpu.memory_space<hbm>> -> memref<16384x384xf32, #tpu.memory_space<hbm>>
          tpu.wait_indirect_dma semaphore(%run_scoped3A_456 : memref<!tpu.dma_semaphore, #tpu.memory_space<semaphore_mem>>) src(%dma_wait3A_473 : memref<128x384xf32, #tpu.memory_space<vmem>>) dst(%dma_wait3A_483 : memref<16384x384xf32, #tpu.memory_space<hbm>>)
          tpu.yield
        }) : () -> ()
        %jit3A_292 = arith.constant 64 : i32
        "tpu.trace_stop"() : () -> ()
        %eq3A_293 = arith.constant 0 : i32
        %eq3A_294 = arith.cmpi eq, %jit3A_292, %eq3A_293 : i32
        %jit3A_295 = arith.constant 1 : i32
        %select_n3A_296 = arith.select %eq3A_294, %jit3A_295, %jit3A_292 : i32
        %rem3A_297 = arith.remsi %add3A_150, %select_n3A_296 : i32
        %ne3A_298 = arith.constant 0 : i32
        %ne3A_299 = arith.cmpi ne, %rem3A_297, %ne3A_298 : i32
        %lt3A_300 = arith.constant 0 : i32
        %lt3A_301 = arith.cmpi slt, %rem3A_297, %lt3A_300 : i32
        %lt3A_302 = arith.constant 0 : i32
        %lt3A_303 = arith.cmpi slt, %select_n3A_296, %lt3A_302 : i32
        %ne3A_304 = arith.xori %lt3A_301, %lt3A_303 : i1
        %and3A_305 = arith.andi %ne3A_304, %ne3A_299 : i1
        %add3A_306 = arith.addi %rem3A_297, %select_n3A_296 : i32
        %select_n3A_307 = arith.select %and3A_305, %add3A_306, %rem3A_297 : i32
        %jit3A_308 = arith.constant 64 : i32
        %eq3A_309 = arith.constant 0 : i32
        %eq3A_310 = arith.cmpi eq, %jit3A_308, %eq3A_309 : i32
        %jit3A_311 = arith.constant 1 : i32
        %select_n3A_312 = arith.select %eq3A_310, %jit3A_311, %jit3A_308 : i32
        %rem3A_313 = arith.remsi %add3A_168, %select_n3A_312 : i32
        %ne3A_314 = arith.constant 0 : i32
        %ne3A_315 = arith.cmpi ne, %rem3A_313, %ne3A_314 : i32
        %lt3A_316 = arith.constant 0 : i32
        %lt3A_317 = arith.cmpi slt, %rem3A_313, %lt3A_316 : i32
        %lt3A_318 = arith.constant 0 : i32
        %lt3A_319 = arith.cmpi slt, %select_n3A_312, %lt3A_318 : i32
        %ne3A_320 = arith.xori %lt3A_317, %lt3A_319 : i1
        %and3A_321 = arith.andi %ne3A_320, %ne3A_315 : i1
        %add3A_322 = arith.addi %rem3A_313, %select_n3A_312 : i32
        %select_n3A_323 = arith.select %and3A_321, %add3A_322, %rem3A_313 : i32
        %ne3A_324 = arith.cmpi ne, %select_n3A_307, %select_n3A_323 : i32
        %or3A_325 = arith.constant false
        %or3A_326 = arith.ori %or3A_325, %ne3A_324 : i1
        %or3A_327 = arith.constant false
        %or3A_328 = arith.ori %or3A_326, %or3A_327 : i1
        %or3A_329 = arith.ori %or3A_328, %eq3A_149 : i1
        %convert_element_type3A_330 = arith.extui %or3A_329 : i1 to i32
        %cond3A_331 = arith.constant 0 : i32
        %cond3A_332 = arith.cmpi ne, %convert_element_type3A_330, %cond3A_331 : i32
        scf.if %cond3A_332 {
        } else {
        }
        %and3A_333 = arith.constant false
        %and3A_334 = arith.andi %or3A_329, %and3A_333 : i1
        %ne3A_335 = arith.cmpi ne, %add3A_150, %add3A_168 : i32
        %or3A_336 = arith.constant false
        %or3A_337 = arith.ori %or3A_336, %ne3A_335 : i1
        %or3A_338 = arith.ori %or3A_337, %eq3A_149 : i1
        %convert_element_type3A_339 = arith.extui %or3A_338 : i1 to i32
        %cond3A_340 = arith.constant 0 : i32
        %cond3A_341 = arith.cmpi ne, %convert_element_type3A_339, %cond3A_340 : i32
        scf.if %cond3A_341 {
        } else {
        }
        %and3A_342 = arith.constant false
        %and3A_343 = arith.andi %or3A_338, %and3A_342 : i1
        %jit3A_344 = arith.constant 64 : i32
        %eq3A_345 = arith.constant 0 : i32
        %eq3A_346 = arith.cmpi eq, %jit3A_344, %eq3A_345 : i32
        %jit3A_347 = arith.constant 1 : i32
        %select_n3A_348 = arith.select %eq3A_346, %jit3A_347, %jit3A_344 : i32
        %rem3A_349 = arith.remsi %add3A_150, %select_n3A_348 : i32
        %ne3A_350 = arith.constant 0 : i32
        %ne3A_351 = arith.cmpi ne, %rem3A_349, %ne3A_350 : i32
        %lt3A_352 = arith.constant 0 : i32
        %lt3A_353 = arith.cmpi slt, %rem3A_349, %lt3A_352 : i32
        %lt3A_354 = arith.constant 0 : i32
        %lt3A_355 = arith.cmpi slt, %select_n3A_348, %lt3A_354 : i32
        %ne3A_356 = arith.xori %lt3A_353, %lt3A_355 : i1
        %and3A_357 = arith.andi %ne3A_356, %ne3A_351 : i1
        %add3A_358 = arith.addi %rem3A_349, %select_n3A_348 : i32
        %select_n3A_359 = arith.select %and3A_357, %add3A_358, %rem3A_349 : i32
        %jit3A_360 = arith.constant 64 : i32
        %eq3A_361 = arith.constant 0 : i32
        %eq3A_362 = arith.cmpi eq, %jit3A_360, %eq3A_361 : i32
        %jit3A_363 = arith.constant 1 : i32
        %select_n3A_364 = arith.select %eq3A_362, %jit3A_363, %jit3A_360 : i32
        %rem3A_365 = arith.remsi %add3A_159, %select_n3A_364 : i32
        %ne3A_366 = arith.constant 0 : i32
        %ne3A_367 = arith.cmpi ne, %rem3A_365, %ne3A_366 : i32
        %lt3A_368 = arith.constant 0 : i32
        %lt3A_369 = arith.cmpi slt, %rem3A_365, %lt3A_368 : i32
        %lt3A_370 = arith.constant 0 : i32
        %lt3A_371 = arith.cmpi slt, %select_n3A_364, %lt3A_370 : i32
        %ne3A_372 = arith.xori %lt3A_369, %lt3A_371 : i1
        %and3A_373 = arith.andi %ne3A_372, %ne3A_367 : i1
        %add3A_374 = arith.addi %rem3A_365, %select_n3A_364 : i32
        %select_n3A_375 = arith.select %and3A_373, %add3A_374, %rem3A_365 : i32
        %ne3A_376 = arith.cmpi ne, %select_n3A_359, %select_n3A_375 : i32
        %or3A_377 = arith.constant false
        %or3A_378 = arith.ori %or3A_377, %ne3A_376 : i1
        %or3A_379 = arith.constant false
        %or3A_380 = arith.ori %or3A_378, %or3A_379 : i1
        %not3A_381 = arith.constant true
        %not3A_382 = arith.xori %eq3A_147, %not3A_381 : i1
        %and3A_383 = arith.andi %or3A_380, %not3A_382 : i1
        %convert_element_type3A_384 = arith.extui %and3A_383 : i1 to i32
        %cond3A_385 = arith.constant 0 : i32
        %cond3A_386 = arith.cmpi ne, %convert_element_type3A_384, %cond3A_385 : i32
        scf.if %cond3A_386 {
        } else {
        }
        %and3A_387 = arith.constant false
        %and3A_388 = arith.andi %and3A_383, %and3A_387 : i1
        %ne3A_389 = arith.cmpi ne, %add3A_150, %add3A_159 : i32
        %or3A_390 = arith.constant false
        %or3A_391 = arith.ori %or3A_390, %ne3A_389 : i1
        %not3A_392 = arith.constant true
        %not3A_393 = arith.xori %eq3A_147, %not3A_392 : i1
        %and3A_394 = arith.andi %or3A_391, %not3A_393 : i1
        %convert_element_type3A_395 = arith.extui %and3A_394 : i1 to i32
        %cond3A_396 = arith.constant 0 : i32
        %cond3A_397 = arith.cmpi ne, %convert_element_type3A_395, %cond3A_396 : i32
        scf.if %cond3A_397 {
        } else {
        }
        %and3A_398 = arith.constant false
        %and3A_399 = arith.andi %and3A_394, %and3A_398 : i1
        %jit3A_400 = arith.constant 64 : i32
        %eq3A_401 = arith.constant 0 : i32
        %eq3A_402 = arith.cmpi eq, %jit3A_400, %eq3A_401 : i32
        %jit3A_403 = arith.constant 1 : i32
        %select_n3A_404 = arith.select %eq3A_402, %jit3A_403, %jit3A_400 : i32
        %rem3A_405 = arith.remsi %add3A_150, %select_n3A_404 : i32
        %ne3A_406 = arith.constant 0 : i32
        %ne3A_407 = arith.cmpi ne, %rem3A_405, %ne3A_406 : i32
        %lt3A_408 = arith.constant 0 : i32
        %lt3A_409 = arith.cmpi slt, %rem3A_405, %lt3A_408 : i32
        %lt3A_410 = arith.constant 0 : i32
        %lt3A_411 = arith.cmpi slt, %select_n3A_404, %lt3A_410 : i32
        %ne3A_412 = arith.xori %lt3A_409, %lt3A_411 : i1
        %and3A_413 = arith.andi %ne3A_412, %ne3A_407 : i1
        %add3A_414 = arith.addi %rem3A_405, %select_n3A_404 : i32
        %select_n3A_415 = arith.select %and3A_413, %add3A_414, %rem3A_405 : i32
        %jit3A_416 = arith.constant 64 : i32
        %eq3A_417 = arith.constant 0 : i32
        %eq3A_418 = arith.cmpi eq, %jit3A_416, %eq3A_417 : i32
        %jit3A_419 = arith.constant 1 : i32
        %select_n3A_420 = arith.select %eq3A_418, %jit3A_419, %jit3A_416 : i32
        %rem3A_421 = arith.remsi %add3A_168, %select_n3A_420 : i32
        %ne3A_422 = arith.constant 0 : i32
        %ne3A_423 = arith.cmpi ne, %rem3A_421, %ne3A_422 : i32
        %lt3A_424 = arith.constant 0 : i32
        %lt3A_425 = arith.cmpi slt, %rem3A_421, %lt3A_424 : i32
        %lt3A_426 = arith.constant 0 : i32
        %lt3A_427 = arith.cmpi slt, %select_n3A_420, %lt3A_426 : i32
        %ne3A_428 = arith.xori %lt3A_425, %lt3A_427 : i1
        %and3A_429 = arith.andi %ne3A_428, %ne3A_423 : i1
        %add3A_430 = arith.addi %rem3A_421, %select_n3A_420 : i32
        %select_n3A_431 = arith.select %and3A_429, %add3A_430, %rem3A_421 : i32
        %ne3A_432 = arith.cmpi ne, %select_n3A_415, %select_n3A_431 : i32
        %or3A_433 = arith.constant false
        %or3A_434 = arith.ori %or3A_433, %ne3A_432 : i1
        %or3A_435 = arith.constant false
        %or3A_436 = arith.ori %or3A_434, %or3A_435 : i1
        %or3A_437 = arith.ori %or3A_436, %eq3A_149 : i1
        %add3A_438 = arith.constant 1 : i32
        %add3A_439 = arith.addi %scan3A_142, %add3A_438 : i32
        %select_n3A_440 = arith.select %or3A_437, %add3A_439, %scan3A_142 : i32
        %ne3A_441 = arith.cmpi ne, %add3A_150, %add3A_168 : i32
        %or3A_442 = arith.constant false
        %or3A_443 = arith.ori %or3A_442, %ne3A_441 : i1
        %or3A_444 = arith.ori %or3A_443, %eq3A_149 : i1
        %add3A_445 = arith.constant 1 : i32
        %add3A_446 = arith.addi %scan3A_144, %add3A_445 : i32
        %select_n3A_447 = arith.select %or3A_444, %add3A_446, %scan3A_144 : i32
        %add3A_448 = arith.constant 1 : i32
        %add3A_449 = arith.addi %scan3A_145, %add3A_448 : i32
        %select_n3A_450 = arith.constant true
        %select_n3A_451 = arith.select %select_n3A_450, %add3A_449, %scan3A_145 : i32
        %eq3A_452 = arith.constant 4 : i32
        %eq3A_453 = arith.cmpi eq, %select_n3A_451, %eq3A_452 : i32
        %select_n3A_454 = arith.constant 0 : i32
        %select_n3A_455 = arith.select %eq3A_453, %select_n3A_454, %select_n3A_451 : i32
        scf.yield %select_n3A_222, %select_n3A_440, %select_n3A_238, %select_n3A_447, %select_n3A_455 : i32, i32, i32, i32, i32
      }
      %scan3A_104 = arith.constant 4 : i32
      %sub3A = arith.constant 1 : i32
      %sub3A_105 = arith.subi %scan3A_103#4, %sub3A : i32
      %select_n3A_106 = arith.constant true
      %select_n3A_107 = arith.select %select_n3A_106, %sub3A_105, %scan3A_103#4 : i32
      %eq3A_108 = arith.constant -1 : i32
      %eq3A_109 = arith.cmpi eq, %select_n3A_107, %eq3A_108 : i32
      %select_n3A_110 = arith.constant 3 : i32
      %select_n3A_111 = arith.select %eq3A_109, %select_n3A_110, %select_n3A_107 : i32
      %add3A_112 = arith.addi %select_n3A_111, %mul3A_6 : i32
      %sub3A_113 = arith.constant 1 : i32
      %sub3A_114 = arith.subi %select_n3A_111, %sub3A_113 : i32
      %select_n3A_115 = arith.constant true
      %select_n3A_116 = arith.select %select_n3A_115, %sub3A_114, %select_n3A_111 : i32
      %eq3A_117 = arith.constant -1 : i32
      %eq3A_118 = arith.cmpi eq, %select_n3A_116, %eq3A_117 : i32
      %select_n3A_119 = arith.constant 3 : i32
      %select_n3A_120 = arith.select %eq3A_118, %select_n3A_119, %select_n3A_116 : i32
      %add3A_121 = arith.addi %select_n3A_120, %mul3A_6 : i32
      %add3A_122 = arith.constant 1 : i32
      %add3A_123 = arith.addi %select_n3A_111, %add3A_122 : i32
      %select_n3A_124 = arith.constant true
      %select_n3A_125 = arith.select %select_n3A_124, %add3A_123, %select_n3A_111 : i32
      %eq3A_126 = arith.constant 4 : i32
      %eq3A_127 = arith.cmpi eq, %select_n3A_125, %eq3A_126 : i32
      %select_n3A_128 = arith.constant 0 : i32
      %select_n3A_129 = arith.select %eq3A_127, %select_n3A_128, %select_n3A_125 : i32
      %add3A_130 = arith.addi %select_n3A_129, %mul3A_6 : i32
      %add3A_131 = arith.constant 1 : i32
      %add3A_132 = arith.addi %select_n3A_129, %add3A_131 : i32
      %select_n3A_133 = arith.constant true
      %select_n3A_134 = arith.select %select_n3A_133, %add3A_132, %select_n3A_129 : i32
      %eq3A_135 = arith.constant 4 : i32
      %eq3A_136 = arith.cmpi eq, %select_n3A_134, %eq3A_135 : i32
      %select_n3A_137 = arith.constant 0 : i32
      %select_n3A_138 = arith.select %eq3A_136, %select_n3A_137, %select_n3A_134 : i32
      %add3A_139 = arith.addi %select_n3A_138, %mul3A_6 : i32
      tpu.yield
    }) : () -> ()
    return
  }
}

#map = affine_map<(d0, d1) -> (0, 0)>
module attributes {stable_mosaic.version = 14 : i64} {
  func.func @gather_kernel(%arg0: i32, %arg1: i32, %arg2: memref<16384x384xf32, #tpu.memory_space<hbm>>, %arg3: memref<1x16384xi32, #tpu.memory_space<hbm>>, %arg4: memref<16384x384xf32, #tpu.memory_space<hbm>>) attributes {dimension_semantics = [#tpu.dimension_semantics<core_parallel>, #tpu.dimension_semantics<subcore_parallel>], iteration_bounds = array<i64: 2, 16>, scalar_prefetch = 0 : i64, scratch_operands = 0 : i64, tpu.core_type = #tpu.core_type<sc_vector_subcore>, window_params = [{transform_indices = #map}, {transform_indices = #map}, {transform_indices = #map}]} {
    %mul3A = arith.constant 1 : i32
    %mul3A_0 = arith.muli %arg1, %mul3A : i32
    %add3A = arith.constant 0 : i32
    %add3A_1 = arith.addi %add3A, %mul3A_0 : i32
    %mul3A_2 = arith.constant 16 : i32
    %mul3A_3 = arith.muli %arg0, %mul3A_2 : i32
    %add3A_4 = arith.addi %add3A_1, %mul3A_3 : i32
    %mul3A_5 = arith.constant 4 : i32
    %mul3A_6 = arith.muli %add3A_4, %mul3A_5 : i32
    "tpu.region"() ({
      %run_scoped3A = memref.alloca() : memref<2x1x128xi32, #tpu.memory_space<vmem>>
      %run_scoped3A_7 = tpu.sem_alloc : memref<2x!tpu.dma_semaphore, #tpu.memory_space<semaphore_mem>>
      %run_scoped3A_8 = memref.alloca() : memref<2x128x384xf32, #tpu.memory_space<vmem>>
      %run_scoped3A_9 = tpu.sem_alloc : memref<2x!tpu.dma_semaphore, #tpu.memory_space<semaphore_mem>>
      %add3A_10 = arith.constant 0 : i32
      %add3A_11 = arith.addi %add3A_10, %mul3A_6 : i32
      %select_n3A = arith.constant true
      %select_n3A_12 = arith.constant 0 : i32
      %select_n3A_13 = arith.constant -1 : i32
      %select_n3A_14 = arith.select %select_n3A, %select_n3A_13, %select_n3A_12 : i32
      %eq3A = arith.constant -1 : i32
      %eq3A_15 = arith.cmpi eq, %select_n3A_14, %eq3A : i32
      %select_n3A_16 = arith.constant 3 : i32
      %select_n3A_17 = arith.select %eq3A_15, %select_n3A_16, %select_n3A_14 : i32
      %add3A_18 = arith.addi %select_n3A_17, %mul3A_6 : i32
      %select_n3A_19 = arith.constant true
      %select_n3A_20 = arith.constant 0 : i32
      %select_n3A_21 = arith.constant 1 : i32
      %select_n3A_22 = arith.select %select_n3A_19, %select_n3A_21, %select_n3A_20 : i32
      %eq3A_23 = arith.constant 4 : i32
      %eq3A_24 = arith.cmpi eq, %select_n3A_22, %eq3A_23 : i32
      %select_n3A_25 = arith.constant 0 : i32
      %select_n3A_26 = arith.select %eq3A_24, %select_n3A_25, %select_n3A_22 : i32
      %add3A_27 = arith.addi %select_n3A_26, %mul3A_6 : i32
      %add3A_28 = arith.constant 1 : i32
      %add3A_29 = arith.addi %select_n3A_26, %add3A_28 : i32
      %select_n3A_30 = arith.constant true
      %select_n3A_31 = arith.select %select_n3A_30, %add3A_29, %select_n3A_26 : i32
      %eq3A_32 = arith.constant 4 : i32
      %eq3A_33 = arith.cmpi eq, %select_n3A_31, %eq3A_32 : i32
      %select_n3A_34 = arith.constant 0 : i32
      %select_n3A_35 = arith.select %eq3A_33, %select_n3A_34, %select_n3A_31 : i32
      %add3A_36 = arith.addi %select_n3A_35, %mul3A_6 : i32
      "tpu.trace_start"() <{level = 10 : i32, message = "ep_initialize_0"}> : () -> ()
      %rem3A = arith.constant 0 : i32
      %rem3A_37 = arith.constant 2 : i32
      %rem3A_38 = arith.remui %rem3A, %rem3A_37 : i32
      %mul3A_39 = arith.constant 128 : i32
      %mul3A_40 = arith.muli %mul3A_39, %add3A_11 : i32
      %dma_start3A = arith.constant 0 : i32
      %dma_start3A_41 = arith.constant 0 : i32
      %dma_start3A_42 = tpu.memref_slice %run_scoped3A[%rem3A_38, %dma_start3A, %dma_start3A_41] : memref<2x1x128xi32, #tpu.memory_space<vmem>> -> memref<1x1x128xi32, #tpu.memory_space<vmem>>
      %dma_start3A_43 = tpu.memref_squeeze %dma_start3A_42 : memref<1x1x128xi32, #tpu.memory_space<vmem>> -> memref<1x128xi32, #tpu.memory_space<vmem>>
      %dma_start3A_44 = arith.constant 0 : i32
      %dma_start3A_45 = tpu.memref_slice %arg3[%dma_start3A_44, %mul3A_40] : memref<1x16384xi32, #tpu.memory_space<hbm>> -> memref<1x128xi32, #tpu.memory_space<hbm>>
      %dma_start3A_46 = tpu.memref_slice %run_scoped3A_7[%rem3A_38] : memref<2x!tpu.dma_semaphore, #tpu.memory_space<semaphore_mem>> -> memref<1x!tpu.dma_semaphore, #tpu.memory_space<semaphore_mem>>
      %dma_start3A_47 = tpu.memref_squeeze %dma_start3A_46 : memref<1x!tpu.dma_semaphore, #tpu.memory_space<semaphore_mem>> -> memref<!tpu.dma_semaphore, #tpu.memory_space<semaphore_mem>>
      %dma_start3A_48 = arith.constant 0 : i32
      %dma_start3A_49 = arith.constant 0 : i32
      %dma_start3A_50 = tpu.memref_slice %run_scoped3A[%rem3A_38, %dma_start3A_48, %dma_start3A_49] : memref<2x1x128xi32, #tpu.memory_space<vmem>> -> memref<1x1x128xi32, #tpu.memory_space<vmem>>
      %dma_start3A_51 = tpu.memref_squeeze %dma_start3A_50 : memref<1x1x128xi32, #tpu.memory_space<vmem>> -> memref<1x128xi32, #tpu.memory_space<vmem>>
      %dma_start3A_52 = arith.constant 0 : i32
      %dma_start3A_53 = tpu.memref_slice %arg3[%dma_start3A_52, %mul3A_40] : memref<1x16384xi32, #tpu.memory_space<hbm>> -> memref<1x128xi32, #tpu.memory_space<hbm>>
      tpu.enqueue_dma source(%dma_start3A_53 : memref<1x128xi32, #tpu.memory_space<hbm>>) target(%dma_start3A_51 : memref<1x128xi32, #tpu.memory_space<vmem>>) target_semaphore(%dma_start3A_47 : memref<!tpu.dma_semaphore, #tpu.memory_space<semaphore_mem>>)
      %add3A_54 = arith.constant 0 : i32
      %add3A_55 = arith.constant 1 : i32
      %add3A_56 = arith.addi %add3A_54, %add3A_55 : i32
      %select_n3A_57 = arith.constant true
      %select_n3A_58 = arith.constant 0 : i32
      %select_n3A_59 = arith.select %select_n3A_57, %add3A_56, %select_n3A_58 : i32
      "tpu.trace_stop"() : () -> ()
      %scan3A = arith.constant 0 : i32
      %scan3A_60 = arith.constant 0 : i32
      %scan3A_61 = arith.constant 0 : i32
      %scan3A_62 = arith.constant 0 : i32
      %scan3A_63 = arith.constant 0 : i32
      %scan3A_64 = arith.constant 4 : i32
      %scan3A_65 = arith.addi %scan3A_63, %scan3A_64 : i32
      %scan3A_66 = arith.constant 1 : i32
      %scan3A_67:5 = scf.for %scan3A_121 = %scan3A_63 to %scan3A_65 step %scan3A_66 iter_args(%scan3A_122 = %select_n3A_59, %scan3A_123 = %scan3A, %scan3A_124 = %scan3A_60, %scan3A_125 = %scan3A_61, %scan3A_126 = %scan3A_62) -> (i32, i32, i32, i32, i32)  : i32 {
        %eq3A_127 = arith.constant 0 : i32
        %eq3A_128 = arith.cmpi eq, %scan3A_121, %eq3A_127 : i32
        %eq3A_129 = arith.constant 3 : i32
        %eq3A_130 = arith.cmpi eq, %scan3A_121, %eq3A_129 : i32
        %add3A_131 = arith.addi %scan3A_126, %mul3A_6 : i32
        %sub3A_132 = arith.constant 1 : i32
        %sub3A_133 = arith.subi %scan3A_126, %sub3A_132 : i32
        %select_n3A_134 = arith.constant true
        %select_n3A_135 = arith.select %select_n3A_134, %sub3A_133, %scan3A_126 : i32
        %eq3A_136 = arith.constant -1 : i32
        %eq3A_137 = arith.cmpi eq, %select_n3A_135, %eq3A_136 : i32
        %select_n3A_138 = arith.constant 3 : i32
        %select_n3A_139 = arith.select %eq3A_137, %select_n3A_138, %select_n3A_135 : i32
        %add3A_140 = arith.addi %select_n3A_139, %mul3A_6 : i32
        %add3A_141 = arith.constant 1 : i32
        %add3A_142 = arith.addi %scan3A_126, %add3A_141 : i32
        %select_n3A_143 = arith.constant true
        %select_n3A_144 = arith.select %select_n3A_143, %add3A_142, %scan3A_126 : i32
        %eq3A_145 = arith.constant 4 : i32
        %eq3A_146 = arith.cmpi eq, %select_n3A_144, %eq3A_145 : i32
        %select_n3A_147 = arith.constant 0 : i32
        %select_n3A_148 = arith.select %eq3A_146, %select_n3A_147, %select_n3A_144 : i32
        %add3A_149 = arith.addi %select_n3A_148, %mul3A_6 : i32
        %add3A_150 = arith.constant 1 : i32
        %add3A_151 = arith.addi %select_n3A_148, %add3A_150 : i32
        %select_n3A_152 = arith.constant true
        %select_n3A_153 = arith.select %select_n3A_152, %add3A_151, %select_n3A_148 : i32
        %eq3A_154 = arith.constant 4 : i32
        %eq3A_155 = arith.cmpi eq, %select_n3A_153, %eq3A_154 : i32
        %select_n3A_156 = arith.constant 0 : i32
        %select_n3A_157 = arith.select %eq3A_155, %select_n3A_156, %select_n3A_153 : i32
        %add3A_158 = arith.addi %select_n3A_157, %mul3A_6 : i32
        %ne3A = arith.cmpi ne, %add3A_131, %add3A_149 : i32
        %or3A = arith.constant false
        %or3A_159 = arith.ori %or3A, %ne3A : i1
        %ge3A = arith.constant 3 : i32
        %ge3A_160 = arith.cmpi sge, %scan3A_121, %ge3A : i32
        %not3A = arith.constant true
        %not3A_161 = arith.xori %ge3A_160, %not3A : i1
        %and3A = arith.andi %or3A_159, %not3A_161 : i1
        %convert_element_type3A = arith.extui %and3A : i1 to i32
        %cond3A = arith.constant 0 : i32
        %cond3A_162 = arith.cmpi ne, %convert_element_type3A, %cond3A : i32
        scf.if %cond3A_162 {
          "tpu.trace_start"() <{level = 10 : i32, message = "ep_copy_in"}> : () -> ()
          %rem3A_264 = arith.constant 2 : i32
          %rem3A_265 = arith.remui %scan3A_122, %rem3A_264 : i32
          %mul3A_266 = arith.constant 128 : i32
          %mul3A_267 = arith.muli %mul3A_266, %add3A_149 : i32
          %dma_start3A_268 = arith.constant 0 : i32
          %dma_start3A_269 = arith.constant 0 : i32
          %dma_start3A_270 = tpu.memref_slice %run_scoped3A[%rem3A_265, %dma_start3A_268, %dma_start3A_269] : memref<2x1x128xi32, #tpu.memory_space<vmem>> -> memref<1x1x128xi32, #tpu.memory_space<vmem>>
          %dma_start3A_271 = tpu.memref_squeeze %dma_start3A_270 : memref<1x1x128xi32, #tpu.memory_space<vmem>> -> memref<1x128xi32, #tpu.memory_space<vmem>>
          %dma_start3A_272 = arith.constant 0 : i32
          %dma_start3A_273 = tpu.memref_slice %arg3[%dma_start3A_272, %mul3A_267] : memref<1x16384xi32, #tpu.memory_space<hbm>> -> memref<1x128xi32, #tpu.memory_space<hbm>>
          %dma_start3A_274 = tpu.memref_slice %run_scoped3A_7[%rem3A_265] : memref<2x!tpu.dma_semaphore, #tpu.memory_space<semaphore_mem>> -> memref<1x!tpu.dma_semaphore, #tpu.memory_space<semaphore_mem>>
          %dma_start3A_275 = tpu.memref_squeeze %dma_start3A_274 : memref<1x!tpu.dma_semaphore, #tpu.memory_space<semaphore_mem>> -> memref<!tpu.dma_semaphore, #tpu.memory_space<semaphore_mem>>
          %dma_start3A_276 = arith.constant 0 : i32
          %dma_start3A_277 = arith.constant 0 : i32
          %dma_start3A_278 = tpu.memref_slice %run_scoped3A[%rem3A_265, %dma_start3A_276, %dma_start3A_277] : memref<2x1x128xi32, #tpu.memory_space<vmem>> -> memref<1x1x128xi32, #tpu.memory_space<vmem>>
          %dma_start3A_279 = tpu.memref_squeeze %dma_start3A_278 : memref<1x1x128xi32, #tpu.memory_space<vmem>> -> memref<1x128xi32, #tpu.memory_space<vmem>>
          %dma_start3A_280 = arith.constant 0 : i32
          %dma_start3A_281 = tpu.memref_slice %arg3[%dma_start3A_280, %mul3A_267] : memref<1x16384xi32, #tpu.memory_space<hbm>> -> memref<1x128xi32, #tpu.memory_space<hbm>>
          tpu.enqueue_dma source(%dma_start3A_281 : memref<1x128xi32, #tpu.memory_space<hbm>>) target(%dma_start3A_279 : memref<1x128xi32, #tpu.memory_space<vmem>>) target_semaphore(%dma_start3A_275 : memref<!tpu.dma_semaphore, #tpu.memory_space<semaphore_mem>>)
          "tpu.trace_stop"() : () -> ()
        } else {
        }
        %and3A_163 = arith.constant true
        %and3A_164 = arith.andi %and3A, %and3A_163 : i1
        %add3A_165 = arith.constant 1 : i32
        %add3A_166 = arith.addi %scan3A_122, %add3A_165 : i32
        %select_n3A_167 = arith.select %and3A_164, %add3A_166, %scan3A_122 : i32
        %ne3A_168 = arith.cmpi ne, %add3A_131, %add3A_149 : i32
        %or3A_169 = arith.constant false
        %or3A_170 = arith.ori %or3A_169, %ne3A_168 : i1
        %or3A_171 = arith.constant false
        %or3A_172 = arith.ori %or3A_170, %or3A_171 : i1
        %ge3A_173 = arith.constant 3 : i32
        %ge3A_174 = arith.cmpi sge, %scan3A_121, %ge3A_173 : i32
        %not3A_175 = arith.constant true
        %not3A_176 = arith.xori %ge3A_174, %not3A_175 : i1
        %and3A_177 = arith.andi %or3A_172, %not3A_176 : i1
        %ne3A_178 = arith.cmpi ne, %add3A_131, %add3A_140 : i32
        %or3A_179 = arith.constant false
        %or3A_180 = arith.ori %or3A_179, %ne3A_178 : i1
        %or3A_181 = arith.ori %or3A_180, %eq3A_128 : i1
        %convert_element_type3A_182 = arith.extui %or3A_181 : i1 to i32
        %cond3A_183 = arith.constant 0 : i32
        %cond3A_184 = arith.cmpi ne, %convert_element_type3A_182, %cond3A_183 : i32
        scf.if %cond3A_184 {
          "tpu.trace_start"() <{level = 10 : i32, message = "ep_wait_in"}> : () -> ()
          %mul3A_264 = arith.constant 128 : i32
          %mul3A_265 = arith.muli %mul3A_264, %add3A_131 : i32
          %rem3A_266 = arith.constant 2 : i32
          %rem3A_267 = arith.remui %scan3A_123, %rem3A_266 : i32
          %dma_wait3A_268 = arith.constant 0 : i32
          %dma_wait3A_269 = arith.constant 0 : i32
          %dma_wait3A_270 = tpu.memref_slice %run_scoped3A[%rem3A_267, %dma_wait3A_268, %dma_wait3A_269] : memref<2x1x128xi32, #tpu.memory_space<vmem>> -> memref<1x1x128xi32, #tpu.memory_space<vmem>>
          %dma_wait3A_271 = tpu.memref_squeeze %dma_wait3A_270 : memref<1x1x128xi32, #tpu.memory_space<vmem>> -> memref<1x128xi32, #tpu.memory_space<vmem>>
          %dma_wait3A_272 = arith.constant 0 : i32
          %dma_wait3A_273 = tpu.memref_slice %arg3[%dma_wait3A_272, %mul3A_265] : memref<1x16384xi32, #tpu.memory_space<hbm>> -> memref<1x128xi32, #tpu.memory_space<hbm>>
          %dma_wait3A_274 = tpu.memref_slice %run_scoped3A_7[%rem3A_267] : memref<2x!tpu.dma_semaphore, #tpu.memory_space<semaphore_mem>> -> memref<1x!tpu.dma_semaphore, #tpu.memory_space<semaphore_mem>>
          %dma_wait3A_275 = tpu.memref_squeeze %dma_wait3A_274 : memref<1x!tpu.dma_semaphore, #tpu.memory_space<semaphore_mem>> -> memref<!tpu.dma_semaphore, #tpu.memory_space<semaphore_mem>>
          %dma_wait3A_276 = arith.constant 0 : i32
          %dma_wait3A_277 = arith.constant 0 : i32
          %dma_wait3A_278 = tpu.memref_slice %run_scoped3A[%rem3A_267, %dma_wait3A_276, %dma_wait3A_277] : memref<2x1x128xi32, #tpu.memory_space<vmem>> -> memref<1x1x128xi32, #tpu.memory_space<vmem>>
          %dma_wait3A_279 = tpu.memref_squeeze %dma_wait3A_278 : memref<1x1x128xi32, #tpu.memory_space<vmem>> -> memref<1x128xi32, #tpu.memory_space<vmem>>
          %dma_wait3A_280 = arith.constant 0 : i32
          %dma_wait3A_281 = tpu.memref_slice %arg3[%dma_wait3A_280, %mul3A_265] : memref<1x16384xi32, #tpu.memory_space<hbm>> -> memref<1x128xi32, #tpu.memory_space<hbm>>
          tpu.wait_dma2 semaphore(%dma_wait3A_275 : memref<!tpu.dma_semaphore, #tpu.memory_space<semaphore_mem>>) src(%dma_wait3A_281 : memref<1x128xi32, #tpu.memory_space<hbm>>) dst(%dma_wait3A_279 : memref<1x128xi32, #tpu.memory_space<vmem>>)
          "tpu.trace_stop"() : () -> ()
        } else {
        }
        %ne3A_185 = arith.cmpi ne, %add3A_131, %add3A_140 : i32
        %or3A_186 = arith.constant false
        %or3A_187 = arith.ori %or3A_186, %ne3A_185 : i1
        %or3A_188 = arith.constant false
        %or3A_189 = arith.ori %or3A_187, %or3A_188 : i1
        %or3A_190 = arith.ori %or3A_189, %eq3A_128 : i1
        %convert_element_type3A_191 = arith.extui %or3A_190 : i1 to i32
        %cond3A_192 = arith.constant 0 : i32
        %cond3A_193 = arith.cmpi ne, %convert_element_type3A_191, %cond3A_192 : i32
        scf.if %cond3A_193 {
        } else {
        }
        %rem3A_194 = arith.constant 2 : i32
        %rem3A_195 = arith.remui %scan3A_123, %rem3A_194 : i32
        %rem3A_196 = arith.constant 2 : i32
        %rem3A_197 = arith.remui %scan3A_124, %rem3A_196 : i32
        %run_scoped3A_198 = arith.constant 0 : i32
        "tpu.trace_start"() <{level = 10 : i32, message = "ep_run_kernel"}> : () -> ()
        "tpu.region"() ({
          %run_scoped3A_264 = tpu.sem_alloc : memref<!tpu.dma_semaphore, #tpu.memory_space<semaphore_mem>>
          %dma_start3A_265 = arith.constant 0 : i32
          %dma_start3A_266 = arith.constant 0 : i32
          %dma_start3A_267 = tpu.memref_slice %run_scoped3A_8[%rem3A_197, %dma_start3A_265, %dma_start3A_266] : memref<2x128x384xf32, #tpu.memory_space<vmem>> -> memref<1x128x384xf32, #tpu.memory_space<vmem>>
          %dma_start3A_268 = tpu.memref_squeeze %dma_start3A_267 : memref<1x128x384xf32, #tpu.memory_space<vmem>> -> memref<128x384xf32, #tpu.memory_space<vmem>>
          %dma_start3A_269 = arith.constant 0 : i32
          %dma_start3A_270 = arith.constant 0 : i32
          %dma_start3A_271 = tpu.memref_slice %run_scoped3A[%rem3A_195, %dma_start3A_269, %dma_start3A_270] : memref<2x1x128xi32, #tpu.memory_space<vmem>> -> memref<1x1x128xi32, #tpu.memory_space<vmem>>
          %dma_start3A_272 = tpu.memref_squeeze %dma_start3A_271 : memref<1x1x128xi32, #tpu.memory_space<vmem>> -> memref<1x128xi32, #tpu.memory_space<vmem>>
          %dma_start3A_273 = arith.constant 0 : i32
          %dma_start3A_274 = tpu.memref_slice %dma_start3A_272[%run_scoped3A_198, %dma_start3A_273] : memref<1x128xi32, #tpu.memory_space<vmem>> -> memref<1x128xi32, #tpu.memory_space<vmem>>
          %dma_start3A_275 = tpu.memref_squeeze %dma_start3A_274 : memref<1x128xi32, #tpu.memory_space<vmem>> -> memref<128xi32, #tpu.memory_space<vmem>>
          %dma_start3A_276 = arith.constant 0 : i32
          %dma_start3A_277 = arith.constant 0 : i32
          %dma_start3A_278 = tpu.memref_slice %arg2[%dma_start3A_276, %dma_start3A_277] : memref<16384x384xf32, #tpu.memory_space<hbm>> -> memref<16384x384xf32, #tpu.memory_space<hbm>>
          tpu.enqueue_indirect_dma source(%dma_start3A_278 : memref<16384x384xf32, #tpu.memory_space<hbm>>) target(%dma_start3A_268 : memref<128x384xf32, #tpu.memory_space<vmem>>) offsets(%dma_start3A_275 : memref<128xi32, #tpu.memory_space<vmem>>) semaphore(%run_scoped3A_264 : memref<!tpu.dma_semaphore, #tpu.memory_space<semaphore_mem>>)
          %dma_wait3A_279 = arith.constant 0 : i32
          %dma_wait3A_280 = arith.constant 0 : i32
          %dma_wait3A_281 = tpu.memref_slice %run_scoped3A_8[%rem3A_197, %dma_wait3A_279, %dma_wait3A_280] : memref<2x128x384xf32, #tpu.memory_space<vmem>> -> memref<1x128x384xf32, #tpu.memory_space<vmem>>
          %dma_wait3A_282 = tpu.memref_squeeze %dma_wait3A_281 : memref<1x128x384xf32, #tpu.memory_space<vmem>> -> memref<128x384xf32, #tpu.memory_space<vmem>>
          %dma_wait3A_283 = arith.constant 0 : i32
          %dma_wait3A_284 = arith.constant 0 : i32
          %dma_wait3A_285 = tpu.memref_slice %run_scoped3A[%rem3A_195, %dma_wait3A_283, %dma_wait3A_284] : memref<2x1x128xi32, #tpu.memory_space<vmem>> -> memref<1x1x128xi32, #tpu.memory_space<vmem>>
          %dma_wait3A_286 = tpu.memref_squeeze %dma_wait3A_285 : memref<1x1x128xi32, #tpu.memory_space<vmem>> -> memref<1x128xi32, #tpu.memory_space<vmem>>
          %dma_wait3A_287 = arith.constant 0 : i32
          %dma_wait3A_288 = tpu.memref_slice %dma_wait3A_286[%run_scoped3A_198, %dma_wait3A_287] : memref<1x128xi32, #tpu.memory_space<vmem>> -> memref<1x128xi32, #tpu.memory_space<vmem>>
          %dma_wait3A_289 = tpu.memref_squeeze %dma_wait3A_288 : memref<1x128xi32, #tpu.memory_space<vmem>> -> memref<128xi32, #tpu.memory_space<vmem>>
          %dma_wait3A_290 = arith.constant 0 : i32
          %dma_wait3A_291 = arith.constant 0 : i32
          %dma_wait3A_292 = tpu.memref_slice %arg2[%dma_wait3A_290, %dma_wait3A_291] : memref<16384x384xf32, #tpu.memory_space<hbm>> -> memref<16384x384xf32, #tpu.memory_space<hbm>>
          tpu.wait_indirect_dma semaphore(%run_scoped3A_264 : memref<!tpu.dma_semaphore, #tpu.memory_space<semaphore_mem>>) src(%dma_wait3A_292 : memref<16384x384xf32, #tpu.memory_space<hbm>>) dst(%dma_wait3A_282 : memref<128x384xf32, #tpu.memory_space<vmem>>)
          tpu.yield
        }) : () -> ()
        "tpu.trace_stop"() : () -> ()
        %ne3A_199 = arith.cmpi ne, %add3A_131, %add3A_149 : i32
        %or3A_200 = arith.constant false
        %or3A_201 = arith.ori %or3A_200, %ne3A_199 : i1
        %or3A_202 = arith.ori %or3A_201, %eq3A_130 : i1
        %convert_element_type3A_203 = arith.extui %or3A_202 : i1 to i32
        %cond3A_204 = arith.constant 0 : i32
        %cond3A_205 = arith.cmpi ne, %convert_element_type3A_203, %cond3A_204 : i32
        scf.if %cond3A_205 {
        } else {
        }
        %and3A_206 = arith.constant false
        %and3A_207 = arith.andi %or3A_202, %and3A_206 : i1
        %ne3A_208 = arith.cmpi ne, %add3A_131, %add3A_149 : i32
        %or3A_209 = arith.constant false
        %or3A_210 = arith.ori %or3A_209, %ne3A_208 : i1
        %or3A_211 = arith.constant false
        %or3A_212 = arith.ori %or3A_210, %or3A_211 : i1
        %or3A_213 = arith.ori %or3A_212, %eq3A_130 : i1
        %convert_element_type3A_214 = arith.extui %or3A_213 : i1 to i32
        %cond3A_215 = arith.constant 0 : i32
        %cond3A_216 = arith.cmpi ne, %convert_element_type3A_214, %cond3A_215 : i32
        scf.if %cond3A_216 {
          "tpu.trace_start"() <{level = 10 : i32, message = "ep_copy_out"}> : () -> ()
          %rem3A_264 = arith.constant 2 : i32
          %rem3A_265 = arith.remui %scan3A_124, %rem3A_264 : i32
          %mul3A_266 = arith.constant 128 : i32
          %mul3A_267 = arith.muli %mul3A_266, %add3A_131 : i32
          %dma_start3A_268 = arith.constant 0 : i32
          %dma_start3A_269 = arith.constant 0 : i32
          %dma_start3A_270 = tpu.memref_slice %run_scoped3A_8[%rem3A_265, %dma_start3A_268, %dma_start3A_269] : memref<2x128x384xf32, #tpu.memory_space<vmem>> -> memref<1x128x384xf32, #tpu.memory_space<vmem>>
          %dma_start3A_271 = tpu.memref_squeeze %dma_start3A_270 : memref<1x128x384xf32, #tpu.memory_space<vmem>> -> memref<128x384xf32, #tpu.memory_space<vmem>>
          %dma_start3A_272 = arith.constant 0 : i32
          %dma_start3A_273 = tpu.memref_slice %arg4[%mul3A_267, %dma_start3A_272] : memref<16384x384xf32, #tpu.memory_space<hbm>> -> memref<128x384xf32, #tpu.memory_space<hbm>>
          %dma_start3A_274 = tpu.memref_slice %run_scoped3A_9[%rem3A_265] : memref<2x!tpu.dma_semaphore, #tpu.memory_space<semaphore_mem>> -> memref<1x!tpu.dma_semaphore, #tpu.memory_space<semaphore_mem>>
          %dma_start3A_275 = tpu.memref_squeeze %dma_start3A_274 : memref<1x!tpu.dma_semaphore, #tpu.memory_space<semaphore_mem>> -> memref<!tpu.dma_semaphore, #tpu.memory_space<semaphore_mem>>
          %dma_start3A_276 = arith.constant 0 : i32
          %dma_start3A_277 = tpu.memref_slice %arg4[%mul3A_267, %dma_start3A_276] : memref<16384x384xf32, #tpu.memory_space<hbm>> -> memref<128x384xf32, #tpu.memory_space<hbm>>
          %dma_start3A_278 = arith.constant 0 : i32
          %dma_start3A_279 = arith.constant 0 : i32
          %dma_start3A_280 = tpu.memref_slice %run_scoped3A_8[%rem3A_265, %dma_start3A_278, %dma_start3A_279] : memref<2x128x384xf32, #tpu.memory_space<vmem>> -> memref<1x128x384xf32, #tpu.memory_space<vmem>>
          %dma_start3A_281 = tpu.memref_squeeze %dma_start3A_280 : memref<1x128x384xf32, #tpu.memory_space<vmem>> -> memref<128x384xf32, #tpu.memory_space<vmem>>
          tpu.enqueue_dma source(%dma_start3A_281 : memref<128x384xf32, #tpu.memory_space<vmem>>) target(%dma_start3A_277 : memref<128x384xf32, #tpu.memory_space<hbm>>) target_semaphore(%dma_start3A_275 : memref<!tpu.dma_semaphore, #tpu.memory_space<semaphore_mem>>)
          "tpu.trace_stop"() : () -> ()
        } else {
        }
        %and3A_217 = arith.constant true
        %and3A_218 = arith.andi %or3A_213, %and3A_217 : i1
        %add3A_219 = arith.constant 1 : i32
        %add3A_220 = arith.addi %scan3A_124, %add3A_219 : i32
        %select_n3A_221 = arith.select %and3A_218, %add3A_220, %scan3A_124 : i32
        %ne3A_222 = arith.cmpi ne, %add3A_131, %add3A_140 : i32
        %or3A_223 = arith.constant false
        %or3A_224 = arith.ori %or3A_223, %ne3A_222 : i1
        %not3A_225 = arith.constant true
        %not3A_226 = arith.xori %eq3A_128, %not3A_225 : i1
        %and3A_227 = arith.andi %or3A_224, %not3A_226 : i1
        %convert_element_type3A_228 = arith.extui %and3A_227 : i1 to i32
        %cond3A_229 = arith.constant 0 : i32
        %cond3A_230 = arith.cmpi ne, %convert_element_type3A_228, %cond3A_229 : i32
        scf.if %cond3A_230 {
        } else {
        }
        %and3A_231 = arith.constant false
        %and3A_232 = arith.andi %and3A_227, %and3A_231 : i1
        %ne3A_233 = arith.cmpi ne, %add3A_131, %add3A_140 : i32
        %or3A_234 = arith.constant false
        %or3A_235 = arith.ori %or3A_234, %ne3A_233 : i1
        %or3A_236 = arith.constant false
        %or3A_237 = arith.ori %or3A_235, %or3A_236 : i1
        %not3A_238 = arith.constant true
        %not3A_239 = arith.xori %eq3A_128, %not3A_238 : i1
        %and3A_240 = arith.andi %or3A_237, %not3A_239 : i1
        %convert_element_type3A_241 = arith.extui %and3A_240 : i1 to i32
        %cond3A_242 = arith.constant 0 : i32
        %cond3A_243 = arith.cmpi ne, %convert_element_type3A_241, %cond3A_242 : i32
        scf.if %cond3A_243 {
          "tpu.trace_start"() <{level = 10 : i32, message = "ep_wait_out"}> : () -> ()
          %rem3A_264 = arith.constant 2 : i32
          %rem3A_265 = arith.remui %scan3A_125, %rem3A_264 : i32
          %mul3A_266 = arith.constant 128 : i32
          %mul3A_267 = arith.muli %mul3A_266, %add3A_140 : i32
          %dma_wait3A_268 = arith.constant 0 : i32
          %dma_wait3A_269 = arith.constant 0 : i32
          %dma_wait3A_270 = tpu.memref_slice %run_scoped3A_8[%rem3A_265, %dma_wait3A_268, %dma_wait3A_269] : memref<2x128x384xf32, #tpu.memory_space<vmem>> -> memref<1x128x384xf32, #tpu.memory_space<vmem>>
          %dma_wait3A_271 = tpu.memref_squeeze %dma_wait3A_270 : memref<1x128x384xf32, #tpu.memory_space<vmem>> -> memref<128x384xf32, #tpu.memory_space<vmem>>
          %dma_wait3A_272 = arith.constant 0 : i32
          %dma_wait3A_273 = tpu.memref_slice %arg4[%mul3A_267, %dma_wait3A_272] : memref<16384x384xf32, #tpu.memory_space<hbm>> -> memref<128x384xf32, #tpu.memory_space<hbm>>
          %dma_wait3A_274 = tpu.memref_slice %run_scoped3A_9[%rem3A_265] : memref<2x!tpu.dma_semaphore, #tpu.memory_space<semaphore_mem>> -> memref<1x!tpu.dma_semaphore, #tpu.memory_space<semaphore_mem>>
          %dma_wait3A_275 = tpu.memref_squeeze %dma_wait3A_274 : memref<1x!tpu.dma_semaphore, #tpu.memory_space<semaphore_mem>> -> memref<!tpu.dma_semaphore, #tpu.memory_space<semaphore_mem>>
          %dma_wait3A_276 = arith.constant 0 : i32
          %dma_wait3A_277 = tpu.memref_slice %arg4[%mul3A_267, %dma_wait3A_276] : memref<16384x384xf32, #tpu.memory_space<hbm>> -> memref<128x384xf32, #tpu.memory_space<hbm>>
          %dma_wait3A_278 = arith.constant 0 : i32
          %dma_wait3A_279 = arith.constant 0 : i32
          %dma_wait3A_280 = tpu.memref_slice %run_scoped3A_8[%rem3A_265, %dma_wait3A_278, %dma_wait3A_279] : memref<2x128x384xf32, #tpu.memory_space<vmem>> -> memref<1x128x384xf32, #tpu.memory_space<vmem>>
          %dma_wait3A_281 = tpu.memref_squeeze %dma_wait3A_280 : memref<1x128x384xf32, #tpu.memory_space<vmem>> -> memref<128x384xf32, #tpu.memory_space<vmem>>
          tpu.wait_dma2 semaphore(%dma_wait3A_275 : memref<!tpu.dma_semaphore, #tpu.memory_space<semaphore_mem>>) src(%dma_wait3A_281 : memref<128x384xf32, #tpu.memory_space<vmem>>) dst(%dma_wait3A_277 : memref<128x384xf32, #tpu.memory_space<hbm>>)
          "tpu.trace_stop"() : () -> ()
        } else {
        }
        %and3A_244 = arith.constant true
        %and3A_245 = arith.andi %and3A_240, %and3A_244 : i1
        %add3A_246 = arith.constant 1 : i32
        %add3A_247 = arith.addi %scan3A_125, %add3A_246 : i32
        %select_n3A_248 = arith.select %and3A_245, %add3A_247, %scan3A_125 : i32
        %ne3A_249 = arith.cmpi ne, %add3A_131, %add3A_149 : i32
        %or3A_250 = arith.constant false
        %or3A_251 = arith.ori %or3A_250, %ne3A_249 : i1
        %or3A_252 = arith.ori %or3A_251, %eq3A_130 : i1
        %add3A_253 = arith.constant 1 : i32
        %add3A_254 = arith.addi %scan3A_123, %add3A_253 : i32
        %select_n3A_255 = arith.select %or3A_252, %add3A_254, %scan3A_123 : i32
        %add3A_256 = arith.constant 1 : i32
        %add3A_257 = arith.addi %scan3A_126, %add3A_256 : i32
        %select_n3A_258 = arith.constant true
        %select_n3A_259 = arith.select %select_n3A_258, %add3A_257, %scan3A_126 : i32
        %eq3A_260 = arith.constant 4 : i32
        %eq3A_261 = arith.cmpi eq, %select_n3A_259, %eq3A_260 : i32
        %select_n3A_262 = arith.constant 0 : i32
        %select_n3A_263 = arith.select %eq3A_261, %select_n3A_262, %select_n3A_259 : i32
        scf.yield %select_n3A_167, %select_n3A_255, %select_n3A_221, %select_n3A_248, %select_n3A_263 : i32, i32, i32, i32, i32
      }
      %scan3A_68 = arith.constant 4 : i32
      %sub3A = arith.constant 1 : i32
      %sub3A_69 = arith.subi %scan3A_67#4, %sub3A : i32
      %select_n3A_70 = arith.constant true
      %select_n3A_71 = arith.select %select_n3A_70, %sub3A_69, %scan3A_67#4 : i32
      %eq3A_72 = arith.constant -1 : i32
      %eq3A_73 = arith.cmpi eq, %select_n3A_71, %eq3A_72 : i32
      %select_n3A_74 = arith.constant 3 : i32
      %select_n3A_75 = arith.select %eq3A_73, %select_n3A_74, %select_n3A_71 : i32
      %add3A_76 = arith.addi %select_n3A_75, %mul3A_6 : i32
      %sub3A_77 = arith.constant 1 : i32
      %sub3A_78 = arith.subi %select_n3A_75, %sub3A_77 : i32
      %select_n3A_79 = arith.constant true
      %select_n3A_80 = arith.select %select_n3A_79, %sub3A_78, %select_n3A_75 : i32
      %eq3A_81 = arith.constant -1 : i32
      %eq3A_82 = arith.cmpi eq, %select_n3A_80, %eq3A_81 : i32
      %select_n3A_83 = arith.constant 3 : i32
      %select_n3A_84 = arith.select %eq3A_82, %select_n3A_83, %select_n3A_80 : i32
      %add3A_85 = arith.addi %select_n3A_84, %mul3A_6 : i32
      %add3A_86 = arith.constant 1 : i32
      %add3A_87 = arith.addi %select_n3A_75, %add3A_86 : i32
      %select_n3A_88 = arith.constant true
      %select_n3A_89 = arith.select %select_n3A_88, %add3A_87, %select_n3A_75 : i32
      %eq3A_90 = arith.constant 4 : i32
      %eq3A_91 = arith.cmpi eq, %select_n3A_89, %eq3A_90 : i32
      %select_n3A_92 = arith.constant 0 : i32
      %select_n3A_93 = arith.select %eq3A_91, %select_n3A_92, %select_n3A_89 : i32
      %add3A_94 = arith.addi %select_n3A_93, %mul3A_6 : i32
      %add3A_95 = arith.constant 1 : i32
      %add3A_96 = arith.addi %select_n3A_93, %add3A_95 : i32
      %select_n3A_97 = arith.constant true
      %select_n3A_98 = arith.select %select_n3A_97, %add3A_96, %select_n3A_93 : i32
      %eq3A_99 = arith.constant 4 : i32
      %eq3A_100 = arith.cmpi eq, %select_n3A_98, %eq3A_99 : i32
      %select_n3A_101 = arith.constant 0 : i32
      %select_n3A_102 = arith.select %eq3A_100, %select_n3A_101, %select_n3A_98 : i32
      %add3A_103 = arith.addi %select_n3A_102, %mul3A_6 : i32
      "tpu.trace_start"() <{level = 10 : i32, message = "ep_finalize"}> : () -> ()
      %rem3A_104 = arith.constant 2 : i32
      %rem3A_105 = arith.remui %scan3A_67#3, %rem3A_104 : i32
      %mul3A_106 = arith.constant 128 : i32
      %mul3A_107 = arith.muli %mul3A_106, %add3A_76 : i32
      %dma_wait3A = arith.constant 0 : i32
      %dma_wait3A_108 = arith.constant 0 : i32
      %dma_wait3A_109 = tpu.memref_slice %run_scoped3A_8[%rem3A_105, %dma_wait3A, %dma_wait3A_108] : memref<2x128x384xf32, #tpu.memory_space<vmem>> -> memref<1x128x384xf32, #tpu.memory_space<vmem>>
      %dma_wait3A_110 = tpu.memref_squeeze %dma_wait3A_109 : memref<1x128x384xf32, #tpu.memory_space<vmem>> -> memref<128x384xf32, #tpu.memory_space<vmem>>
      %dma_wait3A_111 = arith.constant 0 : i32
      %dma_wait3A_112 = tpu.memref_slice %arg4[%mul3A_107, %dma_wait3A_111] : memref<16384x384xf32, #tpu.memory_space<hbm>> -> memref<128x384xf32, #tpu.memory_space<hbm>>
      %dma_wait3A_113 = tpu.memref_slice %run_scoped3A_9[%rem3A_105] : memref<2x!tpu.dma_semaphore, #tpu.memory_space<semaphore_mem>> -> memref<1x!tpu.dma_semaphore, #tpu.memory_space<semaphore_mem>>
      %dma_wait3A_114 = tpu.memref_squeeze %dma_wait3A_113 : memref<1x!tpu.dma_semaphore, #tpu.memory_space<semaphore_mem>> -> memref<!tpu.dma_semaphore, #tpu.memory_space<semaphore_mem>>
      %dma_wait3A_115 = arith.constant 0 : i32
      %dma_wait3A_116 = tpu.memref_slice %arg4[%mul3A_107, %dma_wait3A_115] : memref<16384x384xf32, #tpu.memory_space<hbm>> -> memref<128x384xf32, #tpu.memory_space<hbm>>
      %dma_wait3A_117 = arith.constant 0 : i32
      %dma_wait3A_118 = arith.constant 0 : i32
      %dma_wait3A_119 = tpu.memref_slice %run_scoped3A_8[%rem3A_105, %dma_wait3A_117, %dma_wait3A_118] : memref<2x128x384xf32, #tpu.memory_space<vmem>> -> memref<1x128x384xf32, #tpu.memory_space<vmem>>
      %dma_wait3A_120 = tpu.memref_squeeze %dma_wait3A_119 : memref<1x128x384xf32, #tpu.memory_space<vmem>> -> memref<128x384xf32, #tpu.memory_space<vmem>>
      tpu.wait_dma2 semaphore(%dma_wait3A_114 : memref<!tpu.dma_semaphore, #tpu.memory_space<semaphore_mem>>) src(%dma_wait3A_120 : memref<128x384xf32, #tpu.memory_space<vmem>>) dst(%dma_wait3A_116 : memref<128x384xf32, #tpu.memory_space<hbm>>)
      "tpu.trace_stop"() : () -> ()
      tpu.yield
    }) : () -> ()
    return
  }
}

module attributes {stable_mosaic.version = 14 : i64} {
  func.func @_router_body(%arg0: i32, %arg1: memref<512x768xf32, #tpu.memory_space<vmem>>, %arg2: memref<768x128xf32, #tpu.memory_space<vmem>>, %arg3: memref<1x128xf32, #tpu.memory_space<vmem>>, %arg4: memref<1x128xf32, #tpu.memory_space<vmem>>, %arg5: memref<512x2xi32, #tpu.memory_space<vmem>>, %arg6: memref<512x2xf32, #tpu.memory_space<vmem>>) attributes {dimension_semantics = [#tpu.dimension_semantics<arbitrary>], iteration_bounds = array<i64: 8>, scalar_prefetch = 0 : i64, scratch_operands = 0 : i64, tpu.core_type = #tpu.core_type<tc>, window_params = [{transform_indices = @transform_0, window_bounds = array<i64: 512, 768>}, {pipeline_mode = #tpu.pipeline_mode<synchronous>, transform_indices = @transform_1, window_bounds = array<i64: 768, 128>}, {pipeline_mode = #tpu.pipeline_mode<synchronous>, transform_indices = @transform_2, window_bounds = array<i64: 1, 128>}, {pipeline_mode = #tpu.pipeline_mode<synchronous>, transform_indices = @transform_3, window_bounds = array<i64: 1, 128>}, {transform_indices = @transform_4, window_bounds = array<i64: 512, 2>}, {transform_indices = @transform_5, window_bounds = array<i64: 512, 2>}]} {
    %get3A = arith.constant 0 : index
    %get3A_0 = arith.constant 0 : index
    %get3A_1 = vector.load %arg1[%get3A, %get3A_0] : memref<512x768xf32, #tpu.memory_space<vmem>>, vector<512x768xf32>
    %get3A_2 = arith.constant 0 : index
    %get3A_3 = arith.constant 0 : index
    %get3A_4 = vector.load %arg2[%get3A_2, %get3A_3] : memref<768x128xf32, #tpu.memory_space<vmem>>, vector<768x128xf32>
    %dot_general3A = arith.constant dense<0.000000e+00> : vector<512x128xf32>
    %dot_general3A_5 = tpu.matmul %get3A_1, %get3A_4, %dot_general3A {dimension_numbers = #tpu.dot_dimension_numbers<[1], [0], [0], [1], [0, 0, 1, 1], [], []>, transpose_lhs_hint = false} : vector<512x768xf32>, vector<768x128xf32>, vector<512x128xf32> -> vector<512x128xf32>
    %get3A_6 = arith.constant 0 : index
    %get3A_7 = arith.constant 0 : index
    %get3A_8 = vector.load %arg3[%get3A_6, %get3A_7] : memref<1x128xf32, #tpu.memory_space<vmem>>, vector<1x128xf32>
    %add3A = vector.broadcast %get3A_8 : vector<1x128xf32> to vector<512x128xf32>
    %add3A_9 = arith.addf %dot_general3A_5, %add3A : vector<512x128xf32>
    %reduce_max3A = arith.constant dense<0xFF800000> : vector<512xf32>
    %reduce_max3A_10 = vector.multi_reduction <maximumf>, %add3A_9, %reduce_max3A [1] : vector<512x128xf32> to vector<512xf32>
    %broadcast_in_dim3A = vector.shape_cast %reduce_max3A_10 : vector<512xf32> to vector<512x1xf32>
    %sub3A = vector.broadcast %broadcast_in_dim3A : vector<512x1xf32> to vector<512x128xf32>
    %sub3A_11 = arith.subf %add3A_9, %sub3A : vector<512x128xf32>
    %exp3A = math.exp %sub3A_11 : vector<512x128xf32>
    %reduce_sum3A = arith.constant dense<0.000000e+00> : vector<512xf32>
    %reduce_sum3A_12 = vector.multi_reduction <add>, %exp3A, %reduce_sum3A [1] : vector<512x128xf32> to vector<512xf32>
    %broadcast_in_dim3A_13 = vector.shape_cast %reduce_sum3A_12 : vector<512xf32> to vector<512x1xf32>
    %div3A = vector.broadcast %broadcast_in_dim3A_13 : vector<512x1xf32> to vector<512x128xf32>
    %div3A_14 = arith.divf %exp3A, %div3A : vector<512x128xf32>
    %get3A_15 = arith.constant 0 : index
    %get3A_16 = arith.constant 0 : index
    %get3A_17 = vector.load %arg4[%get3A_15, %get3A_16] : memref<1x128xf32, #tpu.memory_space<vmem>>, vector<1x128xf32>
    %add3A_18 = vector.broadcast %get3A_17 : vector<1x128xf32> to vector<512x128xf32>
    %add3A_19 = arith.addf %div3A_14, %add3A_18 : vector<512x128xf32>
    %iota3A = tpu.iota {dimensions = array<i32: 1>} : vector<512x128xi32>
    %argmax3A = tpu.reduce_index %add3A_19 {axis = 1 : i32, kind = #tpu.reduction_kind<arg_max>} : vector<512x128xf32> -> vector<512xi32>
    %broadcast_in_dim3A_20 = vector.shape_cast %argmax3A : vector<512xi32> to vector<512x1xi32>
    %eq3A = vector.broadcast %broadcast_in_dim3A_20 : vector<512x1xi32> to vector<512x128xi32>
    %eq3A_21 = arith.cmpi eq, %iota3A, %eq3A : vector<512x128xi32>
    %jit3A = arith.constant -1.000000e+30 : f32
    %broadcast_in_dim3A_22 = vector.broadcast %jit3A : f32 to vector<512x128xf32>
    %select_n3A = arith.select %eq3A_21, %broadcast_in_dim3A_22, %add3A_19 : vector<512x128xi1>, vector<512x128xf32>
    %argmax3A_23 = tpu.reduce_index %select_n3A {axis = 1 : i32, kind = #tpu.reduction_kind<arg_max>} : vector<512x128xf32> -> vector<512xi32>
    %broadcast_in_dim3A_24 = vector.shape_cast %argmax3A_23 : vector<512xi32> to vector<512x1xi32>
    %eq3A_25 = vector.broadcast %broadcast_in_dim3A_20 : vector<512x1xi32> to vector<512x128xi32>
    %eq3A_26 = arith.cmpi eq, %iota3A, %eq3A_25 : vector<512x128xi32>
    %jit3A_27 = arith.constant 0.000000e+00 : f32
    %broadcast_in_dim3A_28 = vector.broadcast %jit3A_27 : f32 to vector<512x128xf32>
    %select_n3A_29 = arith.select %eq3A_26, %div3A_14, %broadcast_in_dim3A_28 : vector<512x128xi1>, vector<512x128xf32>
    %reduce_sum3A_30 = arith.constant dense<0.000000e+00> : vector<512xf32>
    %reduce_sum3A_31 = vector.multi_reduction <add>, %select_n3A_29, %reduce_sum3A_30 [1] : vector<512x128xf32> to vector<512xf32>
    %broadcast_in_dim3A_32 = vector.shape_cast %reduce_sum3A_31 : vector<512xf32> to vector<512x1xf32>
    %eq3A_33 = vector.broadcast %broadcast_in_dim3A_24 : vector<512x1xi32> to vector<512x128xi32>
    %eq3A_34 = arith.cmpi eq, %iota3A, %eq3A_33 : vector<512x128xi32>
    %jit3A_35 = arith.constant 0.000000e+00 : f32
    %broadcast_in_dim3A_36 = vector.broadcast %jit3A_35 : f32 to vector<512x128xf32>
    %select_n3A_37 = arith.select %eq3A_34, %div3A_14, %broadcast_in_dim3A_36 : vector<512x128xi1>, vector<512x128xf32>
    %reduce_sum3A_38 = arith.constant dense<0.000000e+00> : vector<512xf32>
    %reduce_sum3A_39 = vector.multi_reduction <add>, %select_n3A_37, %reduce_sum3A_38 [1] : vector<512x128xf32> to vector<512xf32>
    %broadcast_in_dim3A_40 = vector.shape_cast %reduce_sum3A_39 : vector<512xf32> to vector<512x1xf32>
    %add3A_41 = arith.addf %broadcast_in_dim3A_32, %broadcast_in_dim3A_40 : vector<512x1xf32>
    %concatenate3A = tpu.concatenate %broadcast_in_dim3A_20, %broadcast_in_dim3A_24 in 1 : vector<512x1xi32>, vector<512x1xi32> -> vector<512x2xi32>
    %swap3A = arith.constant 0 : index
    %swap3A_42 = arith.constant 0 : index
    %swap3A_43 = vector.load %arg5[%swap3A, %swap3A_42] : memref<512x2xi32, #tpu.memory_space<vmem>>, vector<512x2xi32>
    tpu.vector_store %arg5[%swap3A, %swap3A_42], %concatenate3A {strides = array<i32>} : memref<512x2xi32, #tpu.memory_space<vmem>>, vector<512x2xi32>,
    %div3A_44 = arith.divf %broadcast_in_dim3A_32, %add3A_41 : vector<512x1xf32>
    %div3A_45 = arith.divf %broadcast_in_dim3A_40, %add3A_41 : vector<512x1xf32>
    %concatenate3A_46 = tpu.concatenate %div3A_44, %div3A_45 in 1 : vector<512x1xf32>, vector<512x1xf32> -> vector<512x2xf32>
    %swap3A_47 = arith.constant 0 : index
    %swap3A_48 = arith.constant 0 : index
    %swap3A_49 = vector.load %arg6[%swap3A_47, %swap3A_48] : memref<512x2xf32, #tpu.memory_space<vmem>>, vector<512x2xf32>
    tpu.vector_store %arg6[%swap3A_47, %swap3A_48], %concatenate3A_46 {strides = array<i32>} : memref<512x2xf32, #tpu.memory_space<vmem>>, vector<512x2xf32>,
    return
  }
  func.func @transform_0(%arg0: i32) -> (i32, i32) {
    %c0_i32 = arith.constant 0 : i32
    %c0_i32_0 = arith.constant 0 : i32
    return %arg0, %c0_i32 : i32, i32
  }
  func.func @transform_1(%arg0: i32) -> (i32, i32) {
    %c0_i32 = arith.constant 0 : i32
    %c0_i32_0 = arith.constant 0 : i32
    %c0_i32_1 = arith.constant 0 : i32
    return %c0_i32, %c0_i32_0 : i32, i32
  }
  func.func @transform_2(%arg0: i32) -> (i32, i32) {
    %c0_i32 = arith.constant 0 : i32
    %c0_i32_0 = arith.constant 0 : i32
    %c0_i32_1 = arith.constant 0 : i32
    return %c0_i32, %c0_i32_0 : i32, i32
  }
  func.func @transform_3(%arg0: i32) -> (i32, i32) {
    %c0_i32 = arith.constant 0 : i32
    %c0_i32_0 = arith.constant 0 : i32
    %c0_i32_1 = arith.constant 0 : i32
    return %c0_i32, %c0_i32_0 : i32, i32
  }
  func.func @transform_4(%arg0: i32) -> (i32, i32) {
    %c0_i32 = arith.constant 0 : i32
    %c0_i32_0 = arith.constant 0 : i32
    return %arg0, %c0_i32 : i32, i32
  }
  func.func @transform_5(%arg0: i32) -> (i32, i32) {
    %c0_i32 = arith.constant 0 : i32
    %c0_i32_0 = arith.constant 0 : i32
    return %arg0, %c0_i32 : i32, i32
  }
}

module attributes {stable_mosaic.version = 14 : i64} {
  func.func @_metadata_body(%arg0: i32, %arg1: memref<4096x2xi32, #tpu.memory_space<vmem>>, %arg2: memref<4096x2xi32, #tpu.memory_space<vmem>>, %arg3: memref<32x1xi32, #tpu.memory_space<vmem>>, %arg4: memref<32x1xi32, #tpu.memory_space<vmem>>, %arg5: memref<32x1xi32, #tpu.memory_space<vmem>>, %arg6: memref<32x1xi32, #tpu.memory_space<vmem>>) attributes {dimension_semantics = [#tpu.dimension_semantics<arbitrary>], iteration_bounds = array<i64: 1>, scalar_prefetch = 0 : i64, scratch_operands = 0 : i64, tpu.core_type = #tpu.core_type<tc>, window_params = [{pipeline_mode = #tpu.pipeline_mode<synchronous>, transform_indices = @transform_0, window_bounds = array<i64: 4096, 2>}, {pipeline_mode = #tpu.pipeline_mode<synchronous>, transform_indices = @transform_1, window_bounds = array<i64: 4096, 2>}, {pipeline_mode = #tpu.pipeline_mode<synchronous>, transform_indices = @transform_2, window_bounds = array<i64: 32, 1>}, {pipeline_mode = #tpu.pipeline_mode<synchronous>, transform_indices = @transform_3, window_bounds = array<i64: 32, 1>}, {pipeline_mode = #tpu.pipeline_mode<synchronous>, transform_indices = @transform_4, window_bounds = array<i64: 32, 1>}, {pipeline_mode = #tpu.pipeline_mode<synchronous>, transform_indices = @transform_5, window_bounds = array<i64: 32, 1>}]} {
    %get3A = arith.constant 0 : index
    %get3A_0 = arith.constant 0 : index
    %get3A_1 = vector.load %arg1[%get3A, %get3A_0] : memref<4096x2xi32, #tpu.memory_space<vmem>>, vector<4096x2xi32>
    %iota3A = tpu.iota {dimensions = array<i32: 1>} : vector<4096x14xi32>
    %slice3A = vector.extract_strided_slice %get3A_1 {offsets = [0, 0], sizes = [4096, 1], strides = [1, 1]} : vector<4096x2xi32> to vector<4096x1xi32>
    %eq3A = vector.broadcast %slice3A : vector<4096x1xi32> to vector<4096x14xi32>
    %eq3A_2 = arith.cmpi eq, %eq3A, %iota3A : vector<4096x14xi32>
    %convert_element_type3A = arith.extui %eq3A_2 : vector<4096x14xi1> to vector<4096x14xi32>
    %convert_element_type3A_3 = arith.sitofp %convert_element_type3A : vector<4096x14xi32> to vector<4096x14xf32>
    %slice3A_4 = vector.extract_strided_slice %get3A_1 {offsets = [0, 1], sizes = [4096, 1], strides = [1, 1]} : vector<4096x2xi32> to vector<4096x1xi32>
    %eq3A_5 = vector.broadcast %slice3A_4 : vector<4096x1xi32> to vector<4096x14xi32>
    %eq3A_6 = arith.cmpi eq, %eq3A_5, %iota3A : vector<4096x14xi32>
    %convert_element_type3A_7 = arith.extui %eq3A_6 : vector<4096x14xi1> to vector<4096x14xi32>
    %convert_element_type3A_8 = arith.sitofp %convert_element_type3A_7 : vector<4096x14xi32> to vector<4096x14xf32>
    %concatenate3A = tpu.concatenate %convert_element_type3A_3, %convert_element_type3A_8 in 1 : vector<4096x14xf32>, vector<4096x14xf32> -> vector<4096x28xf32>
    %broadcast_in_dim3A = arith.constant 0.000000e+00 : f32
    %broadcast_in_dim3A_9 = vector.broadcast %broadcast_in_dim3A : f32 to vector<1x28xf32>
    %slice3A_10 = vector.extract_strided_slice %concatenate3A {offsets = [0, 0], sizes = [4095, 28], strides = [1, 1]} : vector<4096x28xf32> to vector<4095x28xf32>
    %concatenate3A_11 = tpu.concatenate %broadcast_in_dim3A_9, %slice3A_10 in 0 : vector<1x28xf32>, vector<4095x28xf32> -> vector<4096x28xf32>
    %add3A = arith.addf %concatenate3A, %concatenate3A_11 : vector<4096x28xf32>
    %broadcast_in_dim3A_12 = arith.constant 0.000000e+00 : f32
    %broadcast_in_dim3A_13 = vector.broadcast %broadcast_in_dim3A_12 : f32 to vector<2x28xf32>
    %slice3A_14 = vector.extract_strided_slice %add3A {offsets = [0, 0], sizes = [4094, 28], strides = [1, 1]} : vector<4096x28xf32> to vector<4094x28xf32>
    %concatenate3A_15 = tpu.concatenate %broadcast_in_dim3A_13, %slice3A_14 in 0 : vector<2x28xf32>, vector<4094x28xf32> -> vector<4096x28xf32>
    %add3A_16 = arith.addf %add3A, %concatenate3A_15 : vector<4096x28xf32>
    %broadcast_in_dim3A_17 = arith.constant 0.000000e+00 : f32
    %broadcast_in_dim3A_18 = vector.broadcast %broadcast_in_dim3A_17 : f32 to vector<4x28xf32>
    %slice3A_19 = vector.extract_strided_slice %add3A_16 {offsets = [0, 0], sizes = [4092, 28], strides = [1, 1]} : vector<4096x28xf32> to vector<4092x28xf32>
    %concatenate3A_20 = tpu.concatenate %broadcast_in_dim3A_18, %slice3A_19 in 0 : vector<4x28xf32>, vector<4092x28xf32> -> vector<4096x28xf32>
    %add3A_21 = arith.addf %add3A_16, %concatenate3A_20 : vector<4096x28xf32>
    %broadcast_in_dim3A_22 = arith.constant 0.000000e+00 : f32
    %broadcast_in_dim3A_23 = vector.broadcast %broadcast_in_dim3A_22 : f32 to vector<8x28xf32>
    %slice3A_24 = vector.extract_strided_slice %add3A_21 {offsets = [0, 0], sizes = [4088, 28], strides = [1, 1]} : vector<4096x28xf32> to vector<4088x28xf32>
    %concatenate3A_25 = tpu.concatenate %broadcast_in_dim3A_23, %slice3A_24 in 0 : vector<8x28xf32>, vector<4088x28xf32> -> vector<4096x28xf32>
    %add3A_26 = arith.addf %add3A_21, %concatenate3A_25 : vector<4096x28xf32>
    %broadcast_in_dim3A_27 = arith.constant 0.000000e+00 : f32
    %broadcast_in_dim3A_28 = vector.broadcast %broadcast_in_dim3A_27 : f32 to vector<16x28xf32>
    %slice3A_29 = vector.extract_strided_slice %add3A_26 {offsets = [0, 0], sizes = [4080, 28], strides = [1, 1]} : vector<4096x28xf32> to vector<4080x28xf32>
    %concatenate3A_30 = tpu.concatenate %broadcast_in_dim3A_28, %slice3A_29 in 0 : vector<16x28xf32>, vector<4080x28xf32> -> vector<4096x28xf32>
    %add3A_31 = arith.addf %add3A_26, %concatenate3A_30 : vector<4096x28xf32>
    %broadcast_in_dim3A_32 = arith.constant 0.000000e+00 : f32
    %broadcast_in_dim3A_33 = vector.broadcast %broadcast_in_dim3A_32 : f32 to vector<32x28xf32>
    %slice3A_34 = vector.extract_strided_slice %add3A_31 {offsets = [0, 0], sizes = [4064, 28], strides = [1, 1]} : vector<4096x28xf32> to vector<4064x28xf32>
    %concatenate3A_35 = tpu.concatenate %broadcast_in_dim3A_33, %slice3A_34 in 0 : vector<32x28xf32>, vector<4064x28xf32> -> vector<4096x28xf32>
    %add3A_36 = arith.addf %add3A_31, %concatenate3A_35 : vector<4096x28xf32>
    %broadcast_in_dim3A_37 = arith.constant 0.000000e+00 : f32
    %broadcast_in_dim3A_38 = vector.broadcast %broadcast_in_dim3A_37 : f32 to vector<64x28xf32>
    %slice3A_39 = vector.extract_strided_slice %add3A_36 {offsets = [0, 0], sizes = [4032, 28], strides = [1, 1]} : vector<4096x28xf32> to vector<4032x28xf32>
    %concatenate3A_40 = tpu.concatenate %broadcast_in_dim3A_38, %slice3A_39 in 0 : vector<64x28xf32>, vector<4032x28xf32> -> vector<4096x28xf32>
    %add3A_41 = arith.addf %add3A_36, %concatenate3A_40 : vector<4096x28xf32>
    %broadcast_in_dim3A_42 = arith.constant 0.000000e+00 : f32
    %broadcast_in_dim3A_43 = vector.broadcast %broadcast_in_dim3A_42 : f32 to vector<128x28xf32>
    %slice3A_44 = vector.extract_strided_slice %add3A_41 {offsets = [0, 0], sizes = [3968, 28], strides = [1, 1]} : vector<4096x28xf32> to vector<3968x28xf32>
    %concatenate3A_45 = tpu.concatenate %broadcast_in_dim3A_43, %slice3A_44 in 0 : vector<128x28xf32>, vector<3968x28xf32> -> vector<4096x28xf32>
    %add3A_46 = arith.addf %add3A_41, %concatenate3A_45 : vector<4096x28xf32>
    %broadcast_in_dim3A_47 = arith.constant 0.000000e+00 : f32
    %broadcast_in_dim3A_48 = vector.broadcast %broadcast_in_dim3A_47 : f32 to vector<256x28xf32>
    %slice3A_49 = vector.extract_strided_slice %add3A_46 {offsets = [0, 0], sizes = [3840, 28], strides = [1, 1]} : vector<4096x28xf32> to vector<3840x28xf32>
    %concatenate3A_50 = tpu.concatenate %broadcast_in_dim3A_48, %slice3A_49 in 0 : vector<256x28xf32>, vector<3840x28xf32> -> vector<4096x28xf32>
    %add3A_51 = arith.addf %add3A_46, %concatenate3A_50 : vector<4096x28xf32>
    %broadcast_in_dim3A_52 = arith.constant 0.000000e+00 : f32
    %broadcast_in_dim3A_53 = vector.broadcast %broadcast_in_dim3A_52 : f32 to vector<512x28xf32>
    %slice3A_54 = vector.extract_strided_slice %add3A_51 {offsets = [0, 0], sizes = [3584, 28], strides = [1, 1]} : vector<4096x28xf32> to vector<3584x28xf32>
    %concatenate3A_55 = tpu.concatenate %broadcast_in_dim3A_53, %slice3A_54 in 0 : vector<512x28xf32>, vector<3584x28xf32> -> vector<4096x28xf32>
    %add3A_56 = arith.addf %add3A_51, %concatenate3A_55 : vector<4096x28xf32>
    %broadcast_in_dim3A_57 = arith.constant 0.000000e+00 : f32
    %broadcast_in_dim3A_58 = vector.broadcast %broadcast_in_dim3A_57 : f32 to vector<1024x28xf32>
    %slice3A_59 = vector.extract_strided_slice %add3A_56 {offsets = [0, 0], sizes = [3072, 28], strides = [1, 1]} : vector<4096x28xf32> to vector<3072x28xf32>
    %concatenate3A_60 = tpu.concatenate %broadcast_in_dim3A_58, %slice3A_59 in 0 : vector<1024x28xf32>, vector<3072x28xf32> -> vector<4096x28xf32>
    %add3A_61 = arith.addf %add3A_56, %concatenate3A_60 : vector<4096x28xf32>
    %broadcast_in_dim3A_62 = arith.constant 0.000000e+00 : f32
    %broadcast_in_dim3A_63 = vector.broadcast %broadcast_in_dim3A_62 : f32 to vector<2048x28xf32>
    %slice3A_64 = vector.extract_strided_slice %add3A_61 {offsets = [0, 0], sizes = [2048, 28], strides = [1, 1]} : vector<4096x28xf32> to vector<2048x28xf32>
    %concatenate3A_65 = tpu.concatenate %broadcast_in_dim3A_63, %slice3A_64 in 0 : vector<2048x28xf32>, vector<2048x28xf32> -> vector<4096x28xf32>
    %add3A_66 = arith.addf %add3A_61, %concatenate3A_65 : vector<4096x28xf32>
    %slice3A_67 = vector.extract_strided_slice %add3A_66 {offsets = [4095, 0], sizes = [1, 28], strides = [1, 1]} : vector<4096x28xf32> to vector<1x28xf32>
    %slice3A_68 = vector.extract_strided_slice %slice3A_67 {offsets = [0, 0], sizes = [1, 14], strides = [1, 1]} : vector<1x28xf32> to vector<1x14xf32>
    %slice3A_69 = vector.extract_strided_slice %slice3A_67 {offsets = [0, 14], sizes = [1, 14], strides = [1, 1]} : vector<1x28xf32> to vector<1x14xf32>
    %slice3A_70 = vector.extract_strided_slice %add3A_66 {offsets = [0, 0], sizes = [4096, 14], strides = [1, 1]} : vector<4096x28xf32> to vector<4096x14xf32>
    %sub3A = arith.subf %slice3A_70, %convert_element_type3A_3 : vector<4096x14xf32>
    %slice3A_71 = vector.extract_strided_slice %add3A_66 {offsets = [0, 14], sizes = [4096, 14], strides = [1, 1]} : vector<4096x28xf32> to vector<4096x14xf32>
    %sub3A_72 = arith.subf %slice3A_71, %convert_element_type3A_8 : vector<4096x14xf32>
    %add3A_73 = arith.addf %slice3A_68, %slice3A_69 : vector<1x14xf32>
    %broadcast_in_dim3A_74 = arith.constant 0.000000e+00 : f32
    %broadcast_in_dim3A_75 = vector.broadcast %broadcast_in_dim3A_74 : f32 to vector<1x1xf32>
    %slice3A_76 = vector.extract_strided_slice %add3A_73 {offsets = [0, 0], sizes = [1, 13], strides = [1, 1]} : vector<1x14xf32> to vector<1x13xf32>
    %concatenate3A_77 = tpu.concatenate %broadcast_in_dim3A_75, %slice3A_76 in 1 : vector<1x1xf32>, vector<1x13xf32> -> vector<1x14xf32>
    %add3A_78 = arith.addf %add3A_73, %concatenate3A_77 : vector<1x14xf32>
    %broadcast_in_dim3A_79 = arith.constant 0.000000e+00 : f32
    %broadcast_in_dim3A_80 = vector.broadcast %broadcast_in_dim3A_79 : f32 to vector<1x2xf32>
    %slice3A_81 = vector.extract_strided_slice %add3A_78 {offsets = [0, 0], sizes = [1, 12], strides = [1, 1]} : vector<1x14xf32> to vector<1x12xf32>
    %concatenate3A_82 = tpu.concatenate %broadcast_in_dim3A_80, %slice3A_81 in 1 : vector<1x2xf32>, vector<1x12xf32> -> vector<1x14xf32>
    %add3A_83 = arith.addf %add3A_78, %concatenate3A_82 : vector<1x14xf32>
    %broadcast_in_dim3A_84 = arith.constant 0.000000e+00 : f32
    %broadcast_in_dim3A_85 = vector.broadcast %broadcast_in_dim3A_84 : f32 to vector<1x4xf32>
    %slice3A_86 = vector.extract_strided_slice %add3A_83 {offsets = [0, 0], sizes = [1, 10], strides = [1, 1]} : vector<1x14xf32> to vector<1x10xf32>
    %concatenate3A_87 = tpu.concatenate %broadcast_in_dim3A_85, %slice3A_86 in 1 : vector<1x4xf32>, vector<1x10xf32> -> vector<1x14xf32>
    %add3A_88 = arith.addf %add3A_83, %concatenate3A_87 : vector<1x14xf32>
    %broadcast_in_dim3A_89 = arith.constant 0.000000e+00 : f32
    %broadcast_in_dim3A_90 = vector.broadcast %broadcast_in_dim3A_89 : f32 to vector<1x8xf32>
    %slice3A_91 = vector.extract_strided_slice %add3A_88 {offsets = [0, 0], sizes = [1, 6], strides = [1, 1]} : vector<1x14xf32> to vector<1x6xf32>
    %concatenate3A_92 = tpu.concatenate %broadcast_in_dim3A_90, %slice3A_91 in 1 : vector<1x8xf32>, vector<1x6xf32> -> vector<1x14xf32>
    %add3A_93 = arith.addf %add3A_88, %concatenate3A_92 : vector<1x14xf32>
    %sub3A_94 = arith.subf %add3A_93, %add3A_73 : vector<1x14xf32>
    %gt3A = arith.constant 5.000000e-01 : f32
    %gt3A_95 = vector.broadcast %gt3A : f32 to vector<4096x14xf32>
    %gt3A_96 = arith.cmpf ogt, %convert_element_type3A_3, %gt3A_95 : vector<4096x14xf32>
    %add3A_97 = vector.broadcast %sub3A_94 : vector<1x14xf32> to vector<4096x14xf32>
    %add3A_98 = arith.addf %sub3A, %add3A_97 : vector<4096x14xf32>
    %jit3A = arith.constant 0.000000e+00 : f32
    %broadcast_in_dim3A_99 = vector.broadcast %jit3A : f32 to vector<4096x14xf32>
    %select_n3A = arith.select %gt3A_96, %add3A_98, %broadcast_in_dim3A_99 : vector<4096x14xi1>, vector<4096x14xf32>
    %reduce_sum3A = arith.constant dense<0.000000e+00> : vector<4096xf32>
    %reduce_sum3A_100 = vector.multi_reduction <add>, %select_n3A, %reduce_sum3A [1] : vector<4096x14xf32> to vector<4096xf32>
    %broadcast_in_dim3A_101 = vector.shape_cast %reduce_sum3A_100 : vector<4096xf32> to vector<4096x1xf32>
    %gt3A_102 = arith.constant 5.000000e-01 : f32
    %gt3A_103 = vector.broadcast %gt3A_102 : f32 to vector<4096x14xf32>
    %gt3A_104 = arith.cmpf ogt, %convert_element_type3A_8, %gt3A_103 : vector<4096x14xf32>
    %add3A_105 = vector.broadcast %sub3A_94 : vector<1x14xf32> to vector<4096x14xf32>
    %add3A_106 = arith.addf %sub3A_72, %add3A_105 : vector<4096x14xf32>
    %add3A_107 = vector.broadcast %slice3A_68 : vector<1x14xf32> to vector<4096x14xf32>
    %add3A_108 = arith.addf %add3A_106, %add3A_107 : vector<4096x14xf32>
    %jit3A_109 = arith.constant 0.000000e+00 : f32
    %broadcast_in_dim3A_110 = vector.broadcast %jit3A_109 : f32 to vector<4096x14xf32>
    %select_n3A_111 = arith.select %gt3A_104, %add3A_108, %broadcast_in_dim3A_110 : vector<4096x14xi1>, vector<4096x14xf32>
    %reduce_sum3A_112 = arith.constant dense<0.000000e+00> : vector<4096xf32>
    %reduce_sum3A_113 = vector.multi_reduction <add>, %select_n3A_111, %reduce_sum3A_112 [1] : vector<4096x14xf32> to vector<4096xf32>
    %broadcast_in_dim3A_114 = vector.shape_cast %reduce_sum3A_113 : vector<4096xf32> to vector<4096x1xf32>
    %concatenate3A_115 = tpu.concatenate %broadcast_in_dim3A_101, %broadcast_in_dim3A_114 in 1 : vector<4096x1xf32>, vector<4096x1xf32> -> vector<4096x2xf32>
    %round3A = math.roundeven %concatenate3A_115 : vector<4096x2xf32>
    %convert_element_type3A_116 = arith.fptosi %round3A : vector<4096x2xf32> to vector<4096x2xi32>
    %swap3A = arith.constant 0 : index
    %swap3A_117 = arith.constant 0 : index
    %swap3A_118 = vector.load %arg2[%swap3A, %swap3A_117] : memref<4096x2xi32, #tpu.memory_space<vmem>>, vector<4096x2xi32>
    tpu.vector_store %arg2[%swap3A, %swap3A_117], %convert_element_type3A_116 {strides = array<i32>} : memref<4096x2xi32, #tpu.memory_space<vmem>>, vector<4096x2xi32>,
    %add3A_119 = arith.addf %sub3A_94, %add3A_73 : vector<1x14xf32>
    %div3A = arith.constant 5.120000e+02 : f32
    %div3A_120 = vector.broadcast %div3A : f32 to vector<1x14xf32>
    %div3A_121 = arith.divf %sub3A_94, %div3A_120 : vector<1x14xf32>
    %floor3A = math.floor %div3A_121 : vector<1x14xf32>
    %gt3A_122 = arith.constant 0.000000e+00 : f32
    %gt3A_123 = vector.broadcast %gt3A_122 : f32 to vector<1x14xf32>
    %gt3A_124 = arith.cmpf ogt, %add3A_73, %gt3A_123 : vector<1x14xf32>
    %sub3A_125 = arith.constant 1.000000e+00 : f32
    %sub3A_126 = vector.broadcast %sub3A_125 : f32 to vector<1x14xf32>
    %sub3A_127 = arith.subf %add3A_119, %sub3A_126 : vector<1x14xf32>
    %div3A_128 = arith.constant 5.120000e+02 : f32
    %div3A_129 = vector.broadcast %div3A_128 : f32 to vector<1x14xf32>
    %div3A_130 = arith.divf %sub3A_127, %div3A_129 : vector<1x14xf32>
    %floor3A_131 = math.floor %div3A_130 : vector<1x14xf32>
    %select_n3A_132 = arith.select %gt3A_124, %floor3A_131, %floor3A : vector<1x14xi1>, vector<1x14xf32>
    %gt3A_133 = arith.constant 0.000000e+00 : f32
    %gt3A_134 = vector.broadcast %gt3A_133 : f32 to vector<1x14xf32>
    %gt3A_135 = arith.cmpf ogt, %add3A_73, %gt3A_134 : vector<1x14xf32>
    %sub3A_136 = arith.subf %select_n3A_132, %floor3A : vector<1x14xf32>
    %add3A_137 = arith.constant 1.000000e+00 : f32
    %add3A_138 = vector.broadcast %add3A_137 : f32 to vector<1x14xf32>
    %add3A_139 = arith.addf %sub3A_136, %add3A_138 : vector<1x14xf32>
    %jit3A_140 = arith.constant 0.000000e+00 : f32
    %broadcast_in_dim3A_141 = vector.broadcast %jit3A_140 : f32 to vector<1x14xf32>
    %select_n3A_142 = arith.select %gt3A_135, %add3A_139, %broadcast_in_dim3A_141 : vector<1x14xi1>, vector<1x14xf32>
    %broadcast_in_dim3A_143 = arith.constant 0.000000e+00 : f32
    %broadcast_in_dim3A_144 = vector.broadcast %broadcast_in_dim3A_143 : f32 to vector<1x1xf32>
    %slice3A_145 = vector.extract_strided_slice %select_n3A_142 {offsets = [0, 0], sizes = [1, 13], strides = [1, 1]} : vector<1x14xf32> to vector<1x13xf32>
    %concatenate3A_146 = tpu.concatenate %broadcast_in_dim3A_144, %slice3A_145 in 1 : vector<1x1xf32>, vector<1x13xf32> -> vector<1x14xf32>
    %add3A_147 = arith.addf %select_n3A_142, %concatenate3A_146 : vector<1x14xf32>
    %broadcast_in_dim3A_148 = arith.constant 0.000000e+00 : f32
    %broadcast_in_dim3A_149 = vector.broadcast %broadcast_in_dim3A_148 : f32 to vector<1x2xf32>
    %slice3A_150 = vector.extract_strided_slice %add3A_147 {offsets = [0, 0], sizes = [1, 12], strides = [1, 1]} : vector<1x14xf32> to vector<1x12xf32>
    %concatenate3A_151 = tpu.concatenate %broadcast_in_dim3A_149, %slice3A_150 in 1 : vector<1x2xf32>, vector<1x12xf32> -> vector<1x14xf32>
    %add3A_152 = arith.addf %add3A_147, %concatenate3A_151 : vector<1x14xf32>
    %broadcast_in_dim3A_153 = arith.constant 0.000000e+00 : f32
    %broadcast_in_dim3A_154 = vector.broadcast %broadcast_in_dim3A_153 : f32 to vector<1x4xf32>
    %slice3A_155 = vector.extract_strided_slice %add3A_152 {offsets = [0, 0], sizes = [1, 10], strides = [1, 1]} : vector<1x14xf32> to vector<1x10xf32>
    %concatenate3A_156 = tpu.concatenate %broadcast_in_dim3A_154, %slice3A_155 in 1 : vector<1x4xf32>, vector<1x10xf32> -> vector<1x14xf32>
    %add3A_157 = arith.addf %add3A_152, %concatenate3A_156 : vector<1x14xf32>
    %broadcast_in_dim3A_158 = arith.constant 0.000000e+00 : f32
    %broadcast_in_dim3A_159 = vector.broadcast %broadcast_in_dim3A_158 : f32 to vector<1x8xf32>
    %slice3A_160 = vector.extract_strided_slice %add3A_157 {offsets = [0, 0], sizes = [1, 6], strides = [1, 1]} : vector<1x14xf32> to vector<1x6xf32>
    %concatenate3A_161 = tpu.concatenate %broadcast_in_dim3A_159, %slice3A_160 in 1 : vector<1x8xf32>, vector<1x6xf32> -> vector<1x14xf32>
    %add3A_162 = arith.addf %add3A_157, %concatenate3A_161 : vector<1x14xf32>
    %sub3A_163 = arith.subf %add3A_162, %select_n3A_142 : vector<1x14xf32>
    %add3A_164 = arith.addf %sub3A_163, %select_n3A_142 : vector<1x14xf32>
    %reduce_sum3A_165 = vector.shape_cast %select_n3A_142 : vector<1x14xf32> to vector<1x1x14xf32>
    %reduce_sum3A_166 = arith.constant dense<0.000000e+00> : vector<1xf32>
    %reduce_sum3A_167 = vector.multi_reduction <add>, %reduce_sum3A_165, %reduce_sum3A_166 [1, 2] : vector<1x1x14xf32> to vector<1xf32>
    %reduce_sum3A_168 = vector.shape_cast %reduce_sum3A_167 : vector<1xf32> to vector<1x1x1xf32>
    %reduce_sum3A_169 = vector.extract %reduce_sum3A_168[0, 0, 0] : f32 from vector<1x1x1xf32>
    %iota3A_170 = tpu.iota {dimensions = array<i32: 0>} : vector<32x1xi32>
    %convert_element_type3A_171 = arith.sitofp %iota3A_170 : vector<32x1xi32> to vector<32x1xf32>
    %broadcast_in_dim3A_172 = vector.shape_cast %add3A_164 : vector<1x14xf32> to vector<1x14xf32>
    %broadcast_in_dim3A_173 = vector.broadcast %broadcast_in_dim3A_172 : vector<1x14xf32> to vector<32x14xf32>
    %le3A = vector.broadcast %convert_element_type3A_171 : vector<32x1xf32> to vector<32x14xf32>
    %le3A_174 = arith.cmpf ole, %broadcast_in_dim3A_173, %le3A : vector<32x14xf32>
    %convert_element_type3A_175 = arith.extui %le3A_174 : vector<32x14xi1> to vector<32x14xi32>
    %convert_element_type3A_176 = arith.sitofp %convert_element_type3A_175 : vector<32x14xi32> to vector<32x14xf32>
    %reduce_sum3A_177 = arith.constant dense<0.000000e+00> : vector<32xf32>
    %reduce_sum3A_178 = vector.multi_reduction <add>, %convert_element_type3A_176, %reduce_sum3A_177 [1] : vector<32x14xf32> to vector<32xf32>
    %broadcast_in_dim3A_179 = vector.shape_cast %reduce_sum3A_178 : vector<32xf32> to vector<32x1xf32>
    %min3A = arith.constant 1.300000e+01 : f32
    %min3A_180 = vector.broadcast %min3A : f32 to vector<32x1xf32>
    %min3A_181 = arith.minimumf %broadcast_in_dim3A_179, %min3A_180 : vector<32x1xf32>
    %iota3A_182 = tpu.iota {dimensions = array<i32: 1>} : vector<32x14xi32>
    %convert_element_type3A_183 = arith.sitofp %iota3A_182 : vector<32x14xi32> to vector<32x14xf32>
    %eq3A_184 = vector.broadcast %min3A_181 : vector<32x1xf32> to vector<32x14xf32>
    %eq3A_185 = arith.cmpf oeq, %eq3A_184, %convert_element_type3A_183 : vector<32x14xf32>
    %convert_element_type3A_186 = arith.extui %eq3A_185 : vector<32x14xi1> to vector<32x14xi32>
    %convert_element_type3A_187 = arith.sitofp %convert_element_type3A_186 : vector<32x14xi32> to vector<32x14xf32>
    %mul3A = vector.broadcast %add3A_164 : vector<1x14xf32> to vector<32x14xf32>
    %mul3A_188 = arith.mulf %convert_element_type3A_187, %mul3A : vector<32x14xf32>
    %reduce_sum3A_189 = arith.constant dense<0.000000e+00> : vector<32xf32>
    %reduce_sum3A_190 = vector.multi_reduction <add>, %mul3A_188, %reduce_sum3A_189 [1] : vector<32x14xf32> to vector<32xf32>
    %broadcast_in_dim3A_191 = vector.shape_cast %reduce_sum3A_190 : vector<32xf32> to vector<32x1xf32>
    %mul3A_192 = vector.broadcast %select_n3A_142 : vector<1x14xf32> to vector<32x14xf32>
    %mul3A_193 = arith.mulf %convert_element_type3A_187, %mul3A_192 : vector<32x14xf32>
    %reduce_sum3A_194 = arith.constant dense<0.000000e+00> : vector<32xf32>
    %reduce_sum3A_195 = vector.multi_reduction <add>, %mul3A_193, %reduce_sum3A_194 [1] : vector<32x14xf32> to vector<32xf32>
    %broadcast_in_dim3A_196 = vector.shape_cast %reduce_sum3A_195 : vector<32xf32> to vector<32x1xf32>
    %sub3A_197 = arith.subf %broadcast_in_dim3A_191, %broadcast_in_dim3A_196 : vector<32x1xf32>
    %sub3A_198 = arith.subf %convert_element_type3A_171, %sub3A_197 : vector<32x1xf32>
    %mul3A_199 = vector.broadcast %floor3A : vector<1x14xf32> to vector<32x14xf32>
    %mul3A_200 = arith.mulf %convert_element_type3A_187, %mul3A_199 : vector<32x14xf32>
    %reduce_sum3A_201 = arith.constant dense<0.000000e+00> : vector<32xf32>
    %reduce_sum3A_202 = vector.multi_reduction <add>, %mul3A_200, %reduce_sum3A_201 [1] : vector<32x14xf32> to vector<32xf32>
    %broadcast_in_dim3A_203 = vector.shape_cast %reduce_sum3A_202 : vector<32xf32> to vector<32x1xf32>
    %add3A_204 = arith.addf %broadcast_in_dim3A_203, %sub3A_198 : vector<32x1xf32>
    %lt3A = vector.broadcast %reduce_sum3A_169 : f32 to vector<32x1xf32>
    %lt3A_205 = arith.cmpf olt, %convert_element_type3A_171, %lt3A : vector<32x1xf32>
    %jit3A_206 = arith.constant 1.500000e+01 : f32
    %broadcast_in_dim3A_207 = vector.broadcast %jit3A_206 : f32 to vector<32x1xf32>
    %select_n3A_208 = arith.select %lt3A_205, %add3A_204, %broadcast_in_dim3A_207 : vector<32x1xi1>, vector<32x1xf32>
    %mul3A_209 = vector.broadcast %sub3A_94 : vector<1x14xf32> to vector<32x14xf32>
    %mul3A_210 = arith.mulf %convert_element_type3A_187, %mul3A_209 : vector<32x14xf32>
    %reduce_sum3A_211 = arith.constant dense<0.000000e+00> : vector<32xf32>
    %reduce_sum3A_212 = vector.multi_reduction <add>, %mul3A_210, %reduce_sum3A_211 [1] : vector<32x14xf32> to vector<32xf32>
    %broadcast_in_dim3A_213 = vector.shape_cast %reduce_sum3A_212 : vector<32xf32> to vector<32x1xf32>
    %mul3A_214 = arith.constant 5.120000e+02 : f32
    %mul3A_215 = vector.broadcast %mul3A_214 : f32 to vector<32x1xf32>
    %mul3A_216 = arith.mulf %select_n3A_208, %mul3A_215 : vector<32x1xf32>
    %max3A = arith.maximumf %broadcast_in_dim3A_213, %mul3A_216 : vector<32x1xf32>
    %jit3A_217 = arith.constant 0.000000e+00 : f32
    %broadcast_in_dim3A_218 = vector.broadcast %jit3A_217 : f32 to vector<32x1xf32>
    %select_n3A_219 = arith.select %lt3A_205, %max3A, %broadcast_in_dim3A_218 : vector<32x1xi1>, vector<32x1xf32>
    %mul3A_220 = vector.broadcast %add3A_119 : vector<1x14xf32> to vector<32x14xf32>
    %mul3A_221 = arith.mulf %convert_element_type3A_187, %mul3A_220 : vector<32x14xf32>
    %reduce_sum3A_222 = arith.constant dense<0.000000e+00> : vector<32xf32>
    %reduce_sum3A_223 = vector.multi_reduction <add>, %mul3A_221, %reduce_sum3A_222 [1] : vector<32x14xf32> to vector<32xf32>
    %broadcast_in_dim3A_224 = vector.shape_cast %reduce_sum3A_223 : vector<32xf32> to vector<32x1xf32>
    %add3A_225 = arith.constant 1.000000e+00 : f32
    %add3A_226 = vector.broadcast %add3A_225 : f32 to vector<32x1xf32>
    %add3A_227 = arith.addf %select_n3A_208, %add3A_226 : vector<32x1xf32>
    %mul3A_228 = arith.constant 5.120000e+02 : f32
    %mul3A_229 = vector.broadcast %mul3A_228 : f32 to vector<32x1xf32>
    %mul3A_230 = arith.mulf %add3A_227, %mul3A_229 : vector<32x1xf32>
    %min3A_231 = arith.minimumf %broadcast_in_dim3A_224, %mul3A_230 : vector<32x1xf32>
    %jit3A_232 = arith.constant 0.000000e+00 : f32
    %broadcast_in_dim3A_233 = vector.broadcast %jit3A_232 : f32 to vector<32x1xf32>
    %select_n3A_234 = arith.select %lt3A_205, %min3A_231, %broadcast_in_dim3A_233 : vector<32x1xi1>, vector<32x1xf32>
    %convert_element_type3A_235 = arith.fptosi %min3A_181 : vector<32x1xf32> to vector<32x1xi32>
    %swap3A_236 = arith.constant 0 : index
    %swap3A_237 = arith.constant 0 : index
    %swap3A_238 = vector.load %arg3[%swap3A_236, %swap3A_237] : memref<32x1xi32, #tpu.memory_space<vmem>>, vector<32x1xi32>
    tpu.vector_store %arg3[%swap3A_236, %swap3A_237], %convert_element_type3A_235 {strides = array<i32>} : memref<32x1xi32, #tpu.memory_space<vmem>>, vector<32x1xi32>,
    %convert_element_type3A_239 = arith.fptosi %select_n3A_208 : vector<32x1xf32> to vector<32x1xi32>
    %swap3A_240 = arith.constant 0 : index
    %swap3A_241 = arith.constant 0 : index
    %swap3A_242 = vector.load %arg4[%swap3A_240, %swap3A_241] : memref<32x1xi32, #tpu.memory_space<vmem>>, vector<32x1xi32>
    tpu.vector_store %arg4[%swap3A_240, %swap3A_241], %convert_element_type3A_239 {strides = array<i32>} : memref<32x1xi32, #tpu.memory_space<vmem>>, vector<32x1xi32>,
    %convert_element_type3A_243 = arith.fptosi %select_n3A_219 : vector<32x1xf32> to vector<32x1xi32>
    %swap3A_244 = arith.constant 0 : index
    %swap3A_245 = arith.constant 0 : index
    %swap3A_246 = vector.load %arg5[%swap3A_244, %swap3A_245] : memref<32x1xi32, #tpu.memory_space<vmem>>, vector<32x1xi32>
    tpu.vector_store %arg5[%swap3A_244, %swap3A_245], %convert_element_type3A_243 {strides = array<i32>} : memref<32x1xi32, #tpu.memory_space<vmem>>, vector<32x1xi32>,
    %convert_element_type3A_247 = arith.fptosi %select_n3A_234 : vector<32x1xf32> to vector<32x1xi32>
    %swap3A_248 = arith.constant 0 : index
    %swap3A_249 = arith.constant 0 : index
    %swap3A_250 = vector.load %arg6[%swap3A_248, %swap3A_249] : memref<32x1xi32, #tpu.memory_space<vmem>>, vector<32x1xi32>
    tpu.vector_store %arg6[%swap3A_248, %swap3A_249], %convert_element_type3A_247 {strides = array<i32>} : memref<32x1xi32, #tpu.memory_space<vmem>>, vector<32x1xi32>,
    return
  }
  func.func @transform_0(%arg0: i32) -> (i32, i32) {
    %c0_i32 = arith.constant 0 : i32
    %c0_i32_0 = arith.constant 0 : i32
    %c0_i32_1 = arith.constant 0 : i32
    return %c0_i32, %c0_i32_0 : i32, i32
  }
  func.func @transform_1(%arg0: i32) -> (i32, i32) {
    %c0_i32 = arith.constant 0 : i32
    %c0_i32_0 = arith.constant 0 : i32
    %c0_i32_1 = arith.constant 0 : i32
    return %c0_i32, %c0_i32_0 : i32, i32
  }
  func.func @transform_2(%arg0: i32) -> (i32, i32) {
    %c0_i32 = arith.constant 0 : i32
    %c0_i32_0 = arith.constant 0 : i32
    %c0_i32_1 = arith.constant 0 : i32
    return %c0_i32, %c0_i32_0 : i32, i32
  }
  func.func @transform_3(%arg0: i32) -> (i32, i32) {
    %c0_i32 = arith.constant 0 : i32
    %c0_i32_0 = arith.constant 0 : i32
    %c0_i32_1 = arith.constant 0 : i32
    return %c0_i32, %c0_i32_0 : i32, i32
  }
  func.func @transform_4(%arg0: i32) -> (i32, i32) {
    %c0_i32 = arith.constant 0 : i32
    %c0_i32_0 = arith.constant 0 : i32
    %c0_i32_1 = arith.constant 0 : i32
    return %c0_i32, %c0_i32_0 : i32, i32
  }
  func.func @transform_5(%arg0: i32) -> (i32, i32) {
    %c0_i32 = arith.constant 0 : i32
    %c0_i32_0 = arith.constant 0 : i32
    %c0_i32_1 = arith.constant 0 : i32
    return %c0_i32, %c0_i32_0 : i32, i32
  }
}

module attributes {stable_mosaic.version = 14 : i64} {
  func.func @_grouped_body(%arg0: i32, %arg1: memref<32xi32, #tpu.memory_space<smem>>, %arg2: memref<32xi32, #tpu.memory_space<smem>>, %arg3: memref<32xi32, #tpu.memory_space<smem>>, %arg4: memref<32xi32, #tpu.memory_space<smem>>, %arg5: memref<512x768xf32, #tpu.memory_space<vmem>>, %arg6: memref<1x768x768xf32, #tpu.memory_space<vmem>>, %arg7: memref<1x768x768xf32, #tpu.memory_space<vmem>>, %arg8: memref<1x768x768xf32, #tpu.memory_space<vmem>>, %arg9: memref<512x768xf32, #tpu.memory_space<vmem>>, %arg10: memref<768x768xbf16, #tpu.memory_space<vmem>>, %arg11: memref<768x768xbf16, #tpu.memory_space<vmem>>, %arg12: memref<768x768xbf16, #tpu.memory_space<vmem>>) attributes {dimension_semantics = [#tpu.dimension_semantics<arbitrary>], iteration_bounds = array<i64: 32>, scalar_prefetch = 4 : i64, scratch_operands = 3 : i64, tpu.core_type = #tpu.core_type<tc>, window_params = [{transform_indices = @transform_0, window_bounds = array<i64: 512, 768>}, {transform_indices = @transform_1, window_bounds = array<i64: 1, 768, 768>}, {transform_indices = @transform_2, window_bounds = array<i64: 1, 768, 768>}, {transform_indices = @transform_3, window_bounds = array<i64: 1, 768, 768>}, {transform_indices = @transform_4, window_bounds = array<i64: 512, 768>}]} {
    %sub3A = arith.constant 1 : i32
    %sub3A_0 = arith.subi %arg0, %sub3A : i32
    %max3A = arith.constant 0 : i32
    %max3A_1 = arith.maxsi %sub3A_0, %max3A : i32
    %get3A = arith.index_cast %max3A_1 : i32 to index
    %get3A_2 = memref.load %arg1[%get3A] : memref<32xi32, #tpu.memory_space<smem>>
    %eq3A = arith.constant 0 : i32
    %eq3A_3 = arith.cmpi eq, %arg0, %eq3A : i32
    %get3A_4 = arith.index_cast %arg0 : i32 to index
    %get3A_5 = memref.load %arg1[%get3A_4] : memref<32xi32, #tpu.memory_space<smem>>
    %ne3A = arith.cmpi ne, %get3A_5, %get3A_2 : i32
    %or3A = arith.ori %eq3A_3, %ne3A : i1
    %convert_element_type3A = arith.extui %or3A : i1 to i32
    %cond3A = arith.constant 0 : i32
    %cond3A_6 = arith.cmpi ne, %convert_element_type3A, %cond3A : i32
    scf.if %cond3A_6 {
      %get3A_64 = arith.constant 0 : index
      %get3A_65 = arith.constant 0 : index
      %get3A_66 = arith.constant 0 : index
      %get3A_67 = vector.load %arg6[%get3A_64, %get3A_65, %get3A_66] : memref<1x768x768xf32, #tpu.memory_space<vmem>>, vector<1x768x768xf32>
      %get3A_68 = vector.shape_cast %get3A_67 : vector<1x768x768xf32> to vector<768x768xf32>
      %convert_element_type3A_69 = arith.truncf %get3A_68 : vector<768x768xf32> to vector<768x768xbf16>
      %swap3A_70 = arith.constant 0 : index
      %swap3A_71 = arith.constant 0 : index
      %swap3A_72 = vector.load %arg10[%swap3A_70, %swap3A_71] : memref<768x768xbf16, #tpu.memory_space<vmem>>, vector<768x768xbf16>
      tpu.vector_store %arg10[%swap3A_70, %swap3A_71], %convert_element_type3A_69 {strides = array<i32>} : memref<768x768xbf16, #tpu.memory_space<vmem>>, vector<768x768xbf16>,
      %get3A_73 = arith.constant 0 : index
      %get3A_74 = arith.constant 0 : index
      %get3A_75 = arith.constant 0 : index
      %get3A_76 = vector.load %arg7[%get3A_73, %get3A_74, %get3A_75] : memref<1x768x768xf32, #tpu.memory_space<vmem>>, vector<1x768x768xf32>
      %get3A_77 = vector.shape_cast %get3A_76 : vector<1x768x768xf32> to vector<768x768xf32>
      %convert_element_type3A_78 = arith.truncf %get3A_77 : vector<768x768xf32> to vector<768x768xbf16>
      %swap3A_79 = arith.constant 0 : index
      %swap3A_80 = arith.constant 0 : index
      %swap3A_81 = vector.load %arg11[%swap3A_79, %swap3A_80] : memref<768x768xbf16, #tpu.memory_space<vmem>>, vector<768x768xbf16>
      tpu.vector_store %arg11[%swap3A_79, %swap3A_80], %convert_element_type3A_78 {strides = array<i32>} : memref<768x768xbf16, #tpu.memory_space<vmem>>, vector<768x768xbf16>,
      %get3A_82 = arith.constant 0 : index
      %get3A_83 = arith.constant 0 : index
      %get3A_84 = arith.constant 0 : index
      %get3A_85 = vector.load %arg8[%get3A_82, %get3A_83, %get3A_84] : memref<1x768x768xf32, #tpu.memory_space<vmem>>, vector<1x768x768xf32>
      %get3A_86 = vector.shape_cast %get3A_85 : vector<1x768x768xf32> to vector<768x768xf32>
      %convert_element_type3A_87 = arith.truncf %get3A_86 : vector<768x768xf32> to vector<768x768xbf16>
      %swap3A_88 = arith.constant 0 : index
      %swap3A_89 = arith.constant 0 : index
      %swap3A_90 = vector.load %arg12[%swap3A_88, %swap3A_89] : memref<768x768xbf16, #tpu.memory_space<vmem>>, vector<768x768xbf16>
      tpu.vector_store %arg12[%swap3A_88, %swap3A_89], %convert_element_type3A_87 {strides = array<i32>} : memref<768x768xbf16, #tpu.memory_space<vmem>>, vector<768x768xbf16>,
    } else {
    }
    %get3A_7 = arith.constant 0 : index
    %get3A_8 = arith.constant 0 : index
    %get3A_9 = vector.load %arg5[%get3A_7, %get3A_8] : memref<512x768xf32, #tpu.memory_space<vmem>>, vector<512x768xf32>
    %convert_element_type3A_10 = arith.truncf %get3A_9 : vector<512x768xf32> to vector<512x768xbf16>
    %get3A_11 = arith.constant 0 : index
    %get3A_12 = arith.constant 0 : index
    %get3A_13 = vector.load %arg10[%get3A_11, %get3A_12] : memref<768x768xbf16, #tpu.memory_space<vmem>>, vector<768x768xbf16>
    %dot_general3A = arith.constant dense<0.000000e+00> : vector<512x768xf32>
    %dot_general3A_14 = tpu.matmul %convert_element_type3A_10, %get3A_13, %dot_general3A {dimension_numbers = #tpu.dot_dimension_numbers<[1], [0], [0], [1], [0, 0, 1, 1], [], []>, transpose_lhs_hint = false} : vector<512x768xbf16>, vector<768x768xbf16>, vector<512x768xf32> -> vector<512x768xf32>
    %get3A_15 = arith.constant 0 : index
    %get3A_16 = arith.constant 0 : index
    %get3A_17 = vector.load %arg11[%get3A_15, %get3A_16] : memref<768x768xbf16, #tpu.memory_space<vmem>>, vector<768x768xbf16>
    %dot_general3A_18 = arith.constant dense<0.000000e+00> : vector<512x768xf32>
    %dot_general3A_19 = tpu.matmul %convert_element_type3A_10, %get3A_17, %dot_general3A_18 {dimension_numbers = #tpu.dot_dimension_numbers<[1], [0], [0], [1], [0, 0, 1, 1], [], []>, transpose_lhs_hint = false} : vector<512x768xbf16>, vector<768x768xbf16>, vector<512x768xf32> -> vector<512x768xf32>
    %logistic3A = arith.negf %dot_general3A_14 : vector<512x768xf32>
    %logistic3A_20 = math.exp %logistic3A : vector<512x768xf32>
    %logistic3A_21 = arith.constant 1.000000e+00 : f32
    %logistic3A_22 = vector.broadcast %logistic3A_21 : f32 to vector<512x768xf32>
    %logistic3A_23 = arith.addf %logistic3A_22, %logistic3A_20 : vector<512x768xf32>
    %logistic3A_24 = arith.divf %logistic3A_22, %logistic3A_23 : vector<512x768xf32>
    %mul3A = arith.mulf %dot_general3A_14, %logistic3A_24 : vector<512x768xf32>
    %mul3A_25 = arith.mulf %mul3A, %dot_general3A_19 : vector<512x768xf32>
    %convert_element_type3A_26 = arith.truncf %mul3A_25 : vector<512x768xf32> to vector<512x768xbf16>
    %get3A_27 = arith.constant 0 : index
    %get3A_28 = arith.constant 0 : index
    %get3A_29 = vector.load %arg12[%get3A_27, %get3A_28] : memref<768x768xbf16, #tpu.memory_space<vmem>>, vector<768x768xbf16>
    %dot_general3A_30 = arith.constant dense<0.000000e+00> : vector<512x768xf32>
    %dot_general3A_31 = tpu.matmul %convert_element_type3A_26, %get3A_29, %dot_general3A_30 {dimension_numbers = #tpu.dot_dimension_numbers<[1], [0], [0], [1], [0, 0, 1, 1], [], []>, transpose_lhs_hint = false} : vector<512x768xbf16>, vector<768x768xbf16>, vector<512x768xf32> -> vector<512x768xf32>
    %get3A_32 = arith.index_cast %arg0 : i32 to index
    %get3A_33 = memref.load %arg2[%get3A_32] : memref<32xi32, #tpu.memory_space<smem>>
    %mul3A_34 = arith.constant 512 : i32
    %mul3A_35 = arith.muli %get3A_33, %mul3A_34 : i32
    %iota3A = tpu.iota {dimensions = array<i32: 0>} : vector<512x1xi32>
    %add3A = vector.broadcast %mul3A_35 : i32 to vector<512x1xi32>
    %add3A_36 = arith.addi %add3A, %iota3A : vector<512x1xi32>
    %get3A_37 = arith.index_cast %arg0 : i32 to index
    %get3A_38 = memref.load %arg3[%get3A_37] : memref<32xi32, #tpu.memory_space<smem>>
    %ge3A = vector.broadcast %get3A_38 : i32 to vector<512x1xi32>
    %ge3A_39 = arith.cmpi sge, %add3A_36, %ge3A : vector<512x1xi32>
    %get3A_40 = arith.index_cast %arg0 : i32 to index
    %get3A_41 = memref.load %arg4[%get3A_40] : memref<32xi32, #tpu.memory_space<smem>>
    %lt3A = vector.broadcast %get3A_41 : i32 to vector<512x1xi32>
    %lt3A_42 = arith.cmpi slt, %add3A_36, %lt3A : vector<512x1xi32>
    %and3A = arith.andi %ge3A_39, %lt3A_42 : vector<512x1xi1>
    %jit3A = arith.constant 0.000000e+00 : f32
    %broadcast_in_dim3A = vector.shape_cast %and3A : vector<512x1xi1> to vector<512x1xi1>
    %broadcast_in_dim3A_43 = vector.broadcast %broadcast_in_dim3A : vector<512x1xi1> to vector<512x768xi1>
    %broadcast_in_dim3A_44 = vector.broadcast %jit3A : f32 to vector<512x768xf32>
    %select_n3A = arith.select %broadcast_in_dim3A_43, %dot_general3A_31, %broadcast_in_dim3A_44 : vector<512x768xi1>, vector<512x768xf32>
    %sub3A_45 = arith.constant 1 : i32
    %sub3A_46 = arith.subi %arg0, %sub3A_45 : i32
    %max3A_47 = arith.constant 0 : i32
    %max3A_48 = arith.maxsi %sub3A_46, %max3A_47 : i32
    %get3A_49 = arith.index_cast %max3A_48 : i32 to index
    %get3A_50 = memref.load %arg2[%get3A_49] : memref<32xi32, #tpu.memory_space<smem>>
    %eq3A_51 = arith.constant 0 : i32
    %eq3A_52 = arith.cmpi eq, %arg0, %eq3A_51 : i32
    %get3A_53 = arith.index_cast %arg0 : i32 to index
    %get3A_54 = memref.load %arg2[%get3A_53] : memref<32xi32, #tpu.memory_space<smem>>
    %ne3A_55 = arith.cmpi ne, %get3A_54, %get3A_50 : i32
    %or3A_56 = arith.ori %eq3A_52, %ne3A_55 : i1
    %get3A_57 = arith.constant 0 : index
    %get3A_58 = arith.constant 0 : index
    %get3A_59 = vector.load %arg9[%get3A_57, %get3A_58] : memref<512x768xf32, #tpu.memory_space<vmem>>, vector<512x768xf32>
    %add3A_60 = arith.addf %get3A_59, %select_n3A : vector<512x768xf32>
    %select_n3A_61 = arith.select %or3A_56, %select_n3A, %add3A_60 : vector<512x768xf32>
    %swap3A = arith.constant 0 : index
    %swap3A_62 = arith.constant 0 : index
    %swap3A_63 = vector.load %arg9[%swap3A, %swap3A_62] : memref<512x768xf32, #tpu.memory_space<vmem>>, vector<512x768xf32>
    tpu.vector_store %arg9[%swap3A, %swap3A_62], %select_n3A_61 {strides = array<i32>} : memref<512x768xf32, #tpu.memory_space<vmem>>, vector<512x768xf32>,
    return
  }
  func.func @transform_0(%arg0: i32, %arg1: memref<32xi32, #tpu.memory_space<smem>>, %arg2: memref<32xi32, #tpu.memory_space<smem>>, %arg3: memref<32xi32, #tpu.memory_space<smem>>, %arg4: memref<32xi32, #tpu.memory_space<smem>>) -> (i32, i32) {
    %get3A = arith.index_cast %arg0 : i32 to index
    %get3A_0 = memref.load %arg2[%get3A] : memref<32xi32, #tpu.memory_space<smem>>
    %c0_i32 = arith.constant 0 : i32
    %c0_i32_1 = arith.constant 0 : i32
    return %get3A_0, %c0_i32 : i32, i32
  }
  func.func @transform_1(%arg0: i32, %arg1: memref<32xi32, #tpu.memory_space<smem>>, %arg2: memref<32xi32, #tpu.memory_space<smem>>, %arg3: memref<32xi32, #tpu.memory_space<smem>>, %arg4: memref<32xi32, #tpu.memory_space<smem>>) -> (i32, i32, i32) {
    %get3A = arith.index_cast %arg0 : i32 to index
    %get3A_0 = memref.load %arg1[%get3A] : memref<32xi32, #tpu.memory_space<smem>>
    %c0_i32 = arith.constant 0 : i32
    %c0_i32_1 = arith.constant 0 : i32
    %c0_i32_2 = arith.constant 0 : i32
    return %get3A_0, %c0_i32, %c0_i32_1 : i32, i32, i32
  }
  func.func @transform_2(%arg0: i32, %arg1: memref<32xi32, #tpu.memory_space<smem>>, %arg2: memref<32xi32, #tpu.memory_space<smem>>, %arg3: memref<32xi32, #tpu.memory_space<smem>>, %arg4: memref<32xi32, #tpu.memory_space<smem>>) -> (i32, i32, i32) {
    %get3A = arith.index_cast %arg0 : i32 to index
    %get3A_0 = memref.load %arg1[%get3A] : memref<32xi32, #tpu.memory_space<smem>>
    %c0_i32 = arith.constant 0 : i32
    %c0_i32_1 = arith.constant 0 : i32
    %c0_i32_2 = arith.constant 0 : i32
    return %get3A_0, %c0_i32, %c0_i32_1 : i32, i32, i32
  }
  func.func @transform_3(%arg0: i32, %arg1: memref<32xi32, #tpu.memory_space<smem>>, %arg2: memref<32xi32, #tpu.memory_space<smem>>, %arg3: memref<32xi32, #tpu.memory_space<smem>>, %arg4: memref<32xi32, #tpu.memory_space<smem>>) -> (i32, i32, i32) {
    %get3A = arith.index_cast %arg0 : i32 to index
    %get3A_0 = memref.load %arg1[%get3A] : memref<32xi32, #tpu.memory_space<smem>>
    %c0_i32 = arith.constant 0 : i32
    %c0_i32_1 = arith.constant 0 : i32
    %c0_i32_2 = arith.constant 0 : i32
    return %get3A_0, %c0_i32, %c0_i32_1 : i32, i32, i32
  }
  func.func @transform_4(%arg0: i32, %arg1: memref<32xi32, #tpu.memory_space<smem>>, %arg2: memref<32xi32, #tpu.memory_space<smem>>, %arg3: memref<32xi32, #tpu.memory_space<smem>>, %arg4: memref<32xi32, #tpu.memory_space<smem>>) -> (i32, i32) {
    %get3A = arith.index_cast %arg0 : i32 to index
    %get3A_0 = memref.load %arg2[%get3A] : memref<32xi32, #tpu.memory_space<smem>>
    %c0_i32 = arith.constant 0 : i32
    %c0_i32_1 = arith.constant 0 : i32
    return %get3A_0, %c0_i32 : i32, i32
  }
}

module attributes {stable_mosaic.version = 14 : i64} {
  func.func @_shared_body(%arg0: i32, %arg1: memref<256x768xf32, #tpu.memory_space<vmem>>, %arg2: memref<768x1536xf32, #tpu.memory_space<vmem>>, %arg3: memref<1x1536xf32, #tpu.memory_space<vmem>>, %arg4: memref<1536x768xf32, #tpu.memory_space<vmem>>, %arg5: memref<1x768xf32, #tpu.memory_space<vmem>>, %arg6: memref<256x1536xf32, #tpu.memory_space<vmem>>, %arg7: memref<256x2xf32, #tpu.memory_space<vmem>>, %arg8: memref<256x768xf32, #tpu.memory_space<vmem>>, %arg9: memref<768x1536xbf16, #tpu.memory_space<vmem>>, %arg10: memref<1536x768xbf16, #tpu.memory_space<vmem>>) attributes {dimension_semantics = [#tpu.dimension_semantics<arbitrary>], iteration_bounds = array<i64: 16>, scalar_prefetch = 0 : i64, scratch_operands = 2 : i64, tpu.core_type = #tpu.core_type<tc>, window_params = [{transform_indices = @transform_0, window_bounds = array<i64: 256, 768>}, {pipeline_mode = #tpu.pipeline_mode<synchronous>, transform_indices = @transform_1, window_bounds = array<i64: 768, 1536>}, {pipeline_mode = #tpu.pipeline_mode<synchronous>, transform_indices = @transform_2, window_bounds = array<i64: 1, 1536>}, {pipeline_mode = #tpu.pipeline_mode<synchronous>, transform_indices = @transform_3, window_bounds = array<i64: 1536, 768>}, {pipeline_mode = #tpu.pipeline_mode<synchronous>, transform_indices = @transform_4, window_bounds = array<i64: 1, 768>}, {transform_indices = @transform_5, window_bounds = array<i64: 256, 1536>}, {transform_indices = @transform_6, window_bounds = array<i64: 256, 2>}, {transform_indices = @transform_7, window_bounds = array<i64: 256, 768>}]} {
    %eq3A = arith.constant 0 : i32
    %eq3A_0 = arith.cmpi eq, %arg0, %eq3A : i32
    %convert_element_type3A = arith.extui %eq3A_0 : i1 to i32
    %cond3A = arith.constant 0 : i32
    %cond3A_1 = arith.cmpi ne, %convert_element_type3A, %cond3A : i32
    scf.if %cond3A_1 {
      %get3A_46 = arith.constant 0 : index
      %get3A_47 = arith.constant 0 : index
      %get3A_48 = vector.load %arg2[%get3A_46, %get3A_47] : memref<768x1536xf32, #tpu.memory_space<vmem>>, vector<768x1536xf32>
      %convert_element_type3A_49 = arith.truncf %get3A_48 : vector<768x1536xf32> to vector<768x1536xbf16>
      %swap3A_50 = arith.constant 0 : index
      %swap3A_51 = arith.constant 0 : index
      %swap3A_52 = vector.load %arg9[%swap3A_50, %swap3A_51] : memref<768x1536xbf16, #tpu.memory_space<vmem>>, vector<768x1536xbf16>
      tpu.vector_store %arg9[%swap3A_50, %swap3A_51], %convert_element_type3A_49 {strides = array<i32>} : memref<768x1536xbf16, #tpu.memory_space<vmem>>, vector<768x1536xbf16>,
      %get3A_53 = arith.constant 0 : index
      %get3A_54 = arith.constant 0 : index
      %get3A_55 = vector.load %arg4[%get3A_53, %get3A_54] : memref<1536x768xf32, #tpu.memory_space<vmem>>, vector<1536x768xf32>
      %convert_element_type3A_56 = arith.truncf %get3A_55 : vector<1536x768xf32> to vector<1536x768xbf16>
      %swap3A_57 = arith.constant 0 : index
      %swap3A_58 = arith.constant 0 : index
      %swap3A_59 = vector.load %arg10[%swap3A_57, %swap3A_58] : memref<1536x768xbf16, #tpu.memory_space<vmem>>, vector<1536x768xbf16>
      tpu.vector_store %arg10[%swap3A_57, %swap3A_58], %convert_element_type3A_56 {strides = array<i32>} : memref<1536x768xbf16, #tpu.memory_space<vmem>>, vector<1536x768xbf16>,
    } else {
    }
    %get3A = arith.constant 0 : index
    %get3A_2 = arith.constant 0 : index
    %get3A_3 = vector.load %arg1[%get3A, %get3A_2] : memref<256x768xf32, #tpu.memory_space<vmem>>, vector<256x768xf32>
    %convert_element_type3A_4 = arith.truncf %get3A_3 : vector<256x768xf32> to vector<256x768xbf16>
    %get3A_5 = arith.constant 0 : index
    %get3A_6 = arith.constant 0 : index
    %get3A_7 = vector.load %arg9[%get3A_5, %get3A_6] : memref<768x1536xbf16, #tpu.memory_space<vmem>>, vector<768x1536xbf16>
    %dot_general3A = arith.constant dense<0.000000e+00> : vector<256x1536xf32>
    %dot_general3A_8 = tpu.matmul %convert_element_type3A_4, %get3A_7, %dot_general3A {dimension_numbers = #tpu.dot_dimension_numbers<[1], [0], [0], [1], [0, 0, 1, 1], [], []>, transpose_lhs_hint = false} : vector<256x768xbf16>, vector<768x1536xbf16>, vector<256x1536xf32> -> vector<256x1536xf32>
    %get3A_9 = arith.constant 0 : index
    %get3A_10 = arith.constant 0 : index
    %get3A_11 = vector.load %arg3[%get3A_9, %get3A_10] : memref<1x1536xf32, #tpu.memory_space<vmem>>, vector<1x1536xf32>
    %add3A = vector.broadcast %get3A_11 : vector<1x1536xf32> to vector<256x1536xf32>
    %add3A_12 = arith.addf %dot_general3A_8, %add3A : vector<256x1536xf32>
    %logistic3A = arith.negf %add3A_12 : vector<256x1536xf32>
    %logistic3A_13 = math.exp %logistic3A : vector<256x1536xf32>
    %logistic3A_14 = arith.constant 1.000000e+00 : f32
    %logistic3A_15 = vector.broadcast %logistic3A_14 : f32 to vector<256x1536xf32>
    %logistic3A_16 = arith.addf %logistic3A_15, %logistic3A_13 : vector<256x1536xf32>
    %logistic3A_17 = arith.divf %logistic3A_15, %logistic3A_16 : vector<256x1536xf32>
    %mul3A = arith.mulf %add3A_12, %logistic3A_17 : vector<256x1536xf32>
    %convert_element_type3A_18 = arith.truncf %mul3A : vector<256x1536xf32> to vector<256x1536xbf16>
    %get3A_19 = arith.constant 0 : index
    %get3A_20 = arith.constant 0 : index
    %get3A_21 = vector.load %arg10[%get3A_19, %get3A_20] : memref<1536x768xbf16, #tpu.memory_space<vmem>>, vector<1536x768xbf16>
    %dot_general3A_22 = arith.constant dense<0.000000e+00> : vector<256x768xf32>
    %dot_general3A_23 = tpu.matmul %convert_element_type3A_18, %get3A_21, %dot_general3A_22 {dimension_numbers = #tpu.dot_dimension_numbers<[1], [0], [0], [1], [0, 0, 1, 1], [], []>, transpose_lhs_hint = false} : vector<256x1536xbf16>, vector<1536x768xbf16>, vector<256x768xf32> -> vector<256x768xf32>
    %get3A_24 = arith.constant 0 : index
    %get3A_25 = arith.constant 0 : index
    %get3A_26 = vector.load %arg5[%get3A_24, %get3A_25] : memref<1x768xf32, #tpu.memory_space<vmem>>, vector<1x768xf32>
    %add3A_27 = vector.broadcast %get3A_26 : vector<1x768xf32> to vector<256x768xf32>
    %add3A_28 = arith.addf %dot_general3A_23, %add3A_27 : vector<256x768xf32>
    %get3A_29 = arith.constant 0 : index
    %get3A_30 = arith.constant 0 : index
    %get3A_31 = vector.load %arg6[%get3A_29, %get3A_30] : memref<256x1536xf32, #tpu.memory_space<vmem>>, vector<256x1536xf32>
    %get3A_32 = arith.constant 0 : index
    %get3A_33 = arith.constant 0 : index
    %get3A_34 = vector.load %arg7[%get3A_32, %get3A_33] : memref<256x2xf32, #tpu.memory_space<vmem>>, vector<256x2xf32>
    %slice3A = vector.extract_strided_slice %get3A_34 {offsets = [0, 0], sizes = [256, 1], strides = [1, 1]} : vector<256x2xf32> to vector<256x1xf32>
    %slice3A_35 = vector.extract_strided_slice %get3A_31 {offsets = [0, 0], sizes = [256, 768], strides = [1, 1]} : vector<256x1536xf32> to vector<256x768xf32>
    %mul3A_36 = vector.broadcast %slice3A : vector<256x1xf32> to vector<256x768xf32>
    %mul3A_37 = arith.mulf %mul3A_36, %slice3A_35 : vector<256x768xf32>
    %add3A_38 = arith.addf %add3A_28, %mul3A_37 : vector<256x768xf32>
    %slice3A_39 = vector.extract_strided_slice %get3A_34 {offsets = [0, 1], sizes = [256, 1], strides = [1, 1]} : vector<256x2xf32> to vector<256x1xf32>
    %slice3A_40 = vector.extract_strided_slice %get3A_31 {offsets = [0, 768], sizes = [256, 768], strides = [1, 1]} : vector<256x1536xf32> to vector<256x768xf32>
    %mul3A_41 = vector.broadcast %slice3A_39 : vector<256x1xf32> to vector<256x768xf32>
    %mul3A_42 = arith.mulf %mul3A_41, %slice3A_40 : vector<256x768xf32>
    %add3A_43 = arith.addf %add3A_38, %mul3A_42 : vector<256x768xf32>
    %swap3A = arith.constant 0 : index
    %swap3A_44 = arith.constant 0 : index
    %swap3A_45 = vector.load %arg8[%swap3A, %swap3A_44] : memref<256x768xf32, #tpu.memory_space<vmem>>, vector<256x768xf32>
    tpu.vector_store %arg8[%swap3A, %swap3A_44], %add3A_43 {strides = array<i32>} : memref<256x768xf32, #tpu.memory_space<vmem>>, vector<256x768xf32>,
    return
  }
  func.func @transform_0(%arg0: i32) -> (i32, i32) {
    %c0_i32 = arith.constant 0 : i32
    %c0_i32_0 = arith.constant 0 : i32
    return %arg0, %c0_i32 : i32, i32
  }
  func.func @transform_1(%arg0: i32) -> (i32, i32) {
    %c0_i32 = arith.constant 0 : i32
    %c0_i32_0 = arith.constant 0 : i32
    %c0_i32_1 = arith.constant 0 : i32
    return %c0_i32, %c0_i32_0 : i32, i32
  }
  func.func @transform_2(%arg0: i32) -> (i32, i32) {
    %c0_i32 = arith.constant 0 : i32
    %c0_i32_0 = arith.constant 0 : i32
    %c0_i32_1 = arith.constant 0 : i32
    return %c0_i32, %c0_i32_0 : i32, i32
  }
  func.func @transform_3(%arg0: i32) -> (i32, i32) {
    %c0_i32 = arith.constant 0 : i32
    %c0_i32_0 = arith.constant 0 : i32
    %c0_i32_1 = arith.constant 0 : i32
    return %c0_i32, %c0_i32_0 : i32, i32
  }
  func.func @transform_4(%arg0: i32) -> (i32, i32) {
    %c0_i32 = arith.constant 0 : i32
    %c0_i32_0 = arith.constant 0 : i32
    %c0_i32_1 = arith.constant 0 : i32
    return %c0_i32, %c0_i32_0 : i32, i32
  }
  func.func @transform_5(%arg0: i32) -> (i32, i32) {
    %c0_i32 = arith.constant 0 : i32
    %c0_i32_0 = arith.constant 0 : i32
    return %arg0, %c0_i32 : i32, i32
  }
  func.func @transform_6(%arg0: i32) -> (i32, i32) {
    %c0_i32 = arith.constant 0 : i32
    %c0_i32_0 = arith.constant 0 : i32
    return %arg0, %c0_i32 : i32, i32
  }
  func.func @transform_7(%arg0: i32) -> (i32, i32) {
    %c0_i32 = arith.constant 0 : i32
    %c0_i32_0 = arith.constant 0 : i32
    return %arg0, %c0_i32 : i32, i32
  }
}

</mosaic_0001>

<sc_bundles>
// kernel: kernel.11.cloned.1.call-start
scs
__scs_entry_jumppad:
0x0: {  	(pc) =	sbr.rel $0x88, $3  }
0x1: {  	(tag) =	ssettag $0x0;
	lr =	simm.s32 $0x1  }
0x2: {  	[smem:$0x3F96] =	sst lr;
	_ =	strace $0xD0000000  }
0x3: {  	_ = 	snop  }
0x4: {  	_ = 	snop  }
0x5: {  	_ = 	snop  }
0x6: {  	_ = 	snop  }
0x7: {  	_ = 	snop  }
__scs_overlays_trampoline_lowered:
0x8: {  	[smem:$0x3FA5] =	sst s0  }
0x9: {  	[smem:$0x3FA6] =	sst s1  }
0xa: {  	[smem:$0x3FA7] =	sst s2  }
0xb: {  	[smem:$0x3FA8] =	sst s3  }
0xc: {  	[smem:$0x3FA9] =	sst s4  }
0xd: {  	[smem:$0x3FAA] =	sst s5  }
0xe: {  	[smem:$0x3FAB] =	sst s6  }
0xf: {  	[smem:$0x3FAC] =	sst s7  }
0x10: {  	[smem:$0x3FAD] =	sst s8  }
0x11: {  	[smem:$0x3FAE] =	sst s9;
	s0 =	simm.s32 @!p0 $0x0  }
0x12: {  	s1 =	sld [smem:$0x3F94];
	s0 =	simm.s32 @p0 $0x1  }
0x13: {  	[smem:$0x3FAF] =	sst s0;
	s0 =	simm.s32 @!p1 $0x0  }
0x14: {  	s2 =	sld [smem:$0x3F93];
	s0 =	simm.s32 @p1 $0x1  }
0x15: {  	[smem:$0x3FB0] =	sst s0;
	s0 =	simm.s32 @!p2 $0x0  }
0x16: {  	s3 =	sld [smem:$0x3FDB];
	s0 =	simm.s32 @p2 $0x1  }
0x17: {  	s4 =	simm.s32 $0x1BF5;
	[smem:$0x3FB2] =	sst s0  }
0x18: {  	s0 =	sld [smem:$0x3F95];
	_ =	swait.ge [sflag:s4], $0x0  }
0x19: {  	s7 =	sld [smem:$0x3F96]  }
0x1a: {  	s8 =	sadd.s32 $0xFFFFE003, lr  }
0x1b: {  	s9 =	sadd.s32 $0xFFFFFEF7, lr;
	s5 =	simm.s32 $0xFFFFFFFF;
	p2 =	slt.u32 s8, $0xFFFFF086  }
0x1c: {  	p1 =	slt.u32 s9, $0xF7A;
	s5 =	simm.s32 @!p2 $0x0  }
0x1d: {  	s5 =	simm.s32 @p1 $0x1;
	p0 =	seq.s32 s7, s2  }
0x1e: {  	s7 =	smul.u32 @!p0 $0xF7A, s2;
	p2 =	seq.s32 @!p0 s5, $0x0  }
0x1f: {  	s9 =	smul.u32 $0xF7A, s1;
	s8 =	simm.s32 @!p0 $0x1BF5;
	p2 =	por !p2, p0  }
0x20: {  	[sflag:s8] =	ssyncset.s32 @!p0 $0xFFFFF086;
	s6 =	sadd.s32 @!p0 s3, s7;
	s7 =	simm.s32 @!p0 $0x108  }
0x21: {  	s3 =	sadd.s32 s3, s9;
	s6 =	sadd.s32 @!p0 $0x88, s6;
	s7 =	simm.s32 @p2 $0x1082  }
0x22: {  	[simem:s7], [sflag:s8] =	dma.local @!p0 [hbm:s6], $0xF7A  }
0x23: {  	s9 =	sor.u32 $0xD0000000, s2;
	s6 =	simm.s32 $0x108;
	_ =	swait.ge @!p0 [sflag:s8], $0x0  }
0x24: {  	s3 =	sadd.s32 $0x88, s3;
	s6 =	simm.s32 @!p1 $0x1082;
	[sflag:s4] =	ssyncset.s32 $0xFFFFF086  }
0x25: {  	[simem:s6], [sflag:s4] =	dma.local [hbm:s3], $0xF7A  }
0x26: {  	[smem:$0x3F96] =	sst s1;
	(tag) =	ssettag s2;
	_ =	strace s9  }
0x27: {  	s1 =	sld [smem:$0x3FA6]  }
0x28: {  	s2 =	sld [smem:$0x3FA7]  }
0x29: {  	s4 =	sld [smem:$0x3FA9]  }
0x2a: {  	p0 =	seq.s32 s5, $0x0;
	s5 =	sld [smem:$0x3FAA]  }
0x2b: {  	s6 =	sld [smem:$0x3FAB]  }
0x2c: {  	s7 =	sld [smem:$0x3FAC]  }
0x2d: {  	s3 =	simm.s32 $0x108;
	s8 =	sld [smem:$0x3FAD]  }
0x2e: {  	s3 =	simm.s32 @!p0 $0x1082;
	s9 =	sld [smem:$0x3FAE]  }
0x2f: {  	lr =	sadd.s32 s0, s3;
	s0 =	sld [smem:$0x3FA5]  }
0x30: {  	s3 =	sld [smem:$0x3FA8]  }
0x31: {  	[smem:$0x3FB1] =	sst s10  }
0x32: {  	s10 =	sld [smem:$0x3FAF];
	_ =	sdelay $0x3  }
0x33: {  	p0 =	seq.s32 s10, $0x1;
	s10 =	sld [smem:$0x3FB1];
	_ =	sdelay $0x3  }
0x34: {  	[smem:$0x3FB1] =	sst s10  }
0x35: {  	s10 =	sld [smem:$0x3FB0];
	_ =	sdelay $0x3  }
0x36: {  	p1 =	seq.s32 s10, $0x1;
	s10 =	sld [smem:$0x3FB1];
	_ =	sdelay $0x3  }
0x37: {  	[smem:$0x3FB1] =	sst s10  }
0x38: {  	s10 =	sld [smem:$0x3FB2]  }
0x39: {  	_ = 	snop;
	(pc) =	sbr.ind lr, $3  }
0x3a: {  	_ = 	snop  }
0x3b: {  	_ = 	snop  }
0x3c: {  	p2 =	seq.s32 s10, $0x1;
	s10 =	sld [smem:$0x3FB1]  }
0x3d: {  	_ =	shalt  }
0x3e: {  	_ =	shalt  }
0x3f: {  	_ =	shalt  }
0x40: {  	_ =	shalt  }
0x41: {  	_ =	shalt  }
0x42: {  	_ =	shalt  }
0x43: {  	_ =	shalt  }
0x44: {  	_ =	shalt  }
0x45: {  	_ =	shalt  }
0x46: {  	_ =	shalt  }
0x47: {  	_ =	shalt  }
0x48: {  	_ =	shalt  }
0x49: {  	_ =	shalt  }
0x4a: {  	_ =	shalt  }
0x4b: {  	_ =	shalt  }
0x4c: {  	_ =	shalt  }
0x4d: {  	_ =	shalt  }
0x4e: {  	_ =	shalt  }
0x4f: {  	_ =	shalt  }
0x50: {  	_ =	shalt  }
0x51: {  	_ =	shalt  }
0x52: {  	_ =	shalt  }
0x53: {  	_ =	shalt  }
0x54: {  	_ =	shalt  }
0x55: {  	_ =	shalt  }
0x56: {  	_ =	shalt  }
0x57: {  	_ =	shalt  }
0x58: {  	_ =	shalt  }
0x59: {  	_ =	shalt  }
0x5a: {  	_ =	shalt  }
0x5b: {  	_ =	shalt  }
0x5c: {  	_ =	shalt  }
0x5d: {  	_ =	shalt  }
0x5e: {  	_ =	shalt  }
0x5f: {  	_ =	shalt  }
0x60: {  	_ =	shalt  }
0x61: {  	_ =	shalt  }
0x62: {  	_ =	shalt  }
0x63: {  	_ =	shalt  }
0x64: {  	_ =	shalt  }
0x65: {  	_ =	shalt  }
0x66: {  	_ =	shalt  }
0x67: {  	_ =	shalt  }
0x68: {  	_ =	shalt  }
0x69: {  	_ =	shalt  }
0x6a: {  	_ =	shalt  }
0x6b: {  	_ =	shalt  }
0x6c: {  	_ =	shalt  }
0x6d: {  	_ =	shalt  }
0x6e: {  	_ =	shalt  }
0x6f: {  	_ =	shalt  }
0x70: {  	_ =	shalt  }
0x71: {  	_ =	shalt  }
0x72: {  	_ =	shalt  }
0x73: {  	_ =	shalt  }
0x74: {  	_ =	shalt  }
0x75: {  	_ =	shalt  }
0x76: {  	_ =	shalt  }
0x77: {  	_ =	shalt  }
0x78: {  	_ =	shalt  }
0x79: {  	_ =	shalt  }
0x7a: {  	_ =	shalt  }
0x7b: {  	_ =	shalt  }
0x7c: {  	_ =	shalt  }
0x7d: {  	_ =	shalt  }
0x7e: {  	_ =	shalt  }
0x7f: {  	_ =	shalt  }
0x80: {  	_ =	shalt  }
0x81: {  	_ =	shalt  }
0x82: {  	_ =	shalt  }
0x83: {  	_ =	shalt  }
0x84: {  	_ =	shalt  }
0x85: {  	_ =	shalt  }
0x86: {  	_ =	shalt  }
0x87: {  	_ =	shalt  }
.Lfunc_end0:
.L_simem_size_0:
called_computation.1_lowered:
.L_overlay_start_0:
0x88: {  	s2 =	sld [smem:$0x3FD9]  }
0x89: {  	s3 =	sld [smem:$0x3FFE];
	_ =	sdelay $0x1  }
0x8a: {  	s1 =	srdreg.scid  }
0x8b: {  	s0 =	sand.u32 $0x1, s1  }
0x8c: {  	s16 =	sshll.u32 s0, $0xA;
	s2 =	sadd.s32 s3, s2  }
0x8d: {  	s2 =	sadd.s32 s2, s16  }
0x8e: {  	[smem:$0x3FBD] =	sst s2  }
0x8f: {  	_ = 	snop  }
0x90: {  	(tm) =	ssettm $0x1  }
0x91: {  	s17 =	sld [smem:$0x3FFB];
	_ =	sdelay $0x3  }
0x92: {  	_ =	strace s17  }
0x93: {  	s2 =	sld [smem:$0x3FFC];
	_ =	sdelay $0x3  }
0x94: {  	_ =	strace s2  }
0x95: {  	s2 =	sld [smem:$0x3FFD];
	_ =	sdelay $0x3  }
0x96: {  	_ =	strace s2  }
0x97: {  	_ =	strace $0x8FFFFFFF  }
0x98: {  	s18 =	sld [smem:$0x3FDB];
	_ =	sdelay $0x1  }
0x99: {  	s19 =	simm.s32 $_scs_section_size  }
0x9a: {  	s4 =	simm.s32 $_size__tile_overlayer_lowered;
	s5 =	simm.s32 $_tile_overlayer_lowered  }
0x9b: {  	s22 =	simm.s32 $0x1BFF;
	s21 =	sshll.u32 s5, $0x1;
	s2 =	sadd.s32 s19, s18  }
0x9c: {  	s6 =	simm.s32 $0x0;
	s20 =	sshll.u32 s4, $0x1;
	s4 =	sadd.s32 s21, s2  }
0x9d: {  	[timem:s6], [sflag:s22] =	dma.local [hbm:s4], s20  }
0x9e: {  	_ =	swait.ge [sflag:s22], s20  }
0x9f: {  	s3 =	ssub.s32 $0x0, s20;
	[sflag:s22] =	ssyncset.done $0x0  }
0xa0: {  	[sflag:s22] =	ssyncadd.s32 s3;
	_ =	sdelay $0x1  }
0xa1: {  	s23 =	simm.s32 $0x1B8B  }
0xa2: {  	_ =	swait.ge [sflag:s23], $0x1  }
0xa3: {  	[sflag:s23] =	ssyncset.done $0x0  }
0xa4: {  	s25 =	simm.s32 $0x1B8E;
	s24 =	sld [smem:$0x3FFE];
	[sflag:s23] =	ssyncadd.s32 $0xFFFFFFFF  }
0xa5: {  	s26 =	simm.s32 $execute0_lowered;
	[smem:$0x3FD2] =	sst s25  }
0xa6: {  	s4 =	sshll.u32 s26, $0x1;
	_ =	strace $0x8000004F;
	[dreg:$0x1] =	wrdreg $0xFFFFFFFF  }
0xa7: {  	s28 =	simm.s32 $_size_execute0_lowered;
	s2 =	sadd.s32 s2, s4;
	[dreg:$0x0] =	wrdreg $0x0  }
0xa8: {  	s4 =	sshll.u32 s28, $0x1;
	[dreg:$0x2] =	wrdreg s2  }
0xa9: {  	[dreg:$0x3] =	wrdreg s4  }
0xaa: {  	[dreg:$0x4] =	wrdreg $0xC0  }
0xab: {  	_ =	task [dreg:s6], $0x5FFFF  }
0xac: {  	[dreg:$0x1] =	wrdreg $0xFFFFFFFF  }
0xad: {  	[dreg:$0x0] =	wrdreg $0x60  }
0xae: {  	[dreg:$0x2] =	wrdreg s24  }
0xaf: {  	[dreg:$0x3] =	wrdreg $0x9  }
0xb0: {  	_ =	task.clear_ibuf [dreg:s6], $0x4FFFF;
	_ =	strace $0x9000004F  }
0xb1: {  	s29 =	simm.s32 $0x9;
	_ =	strace $0x80000058  }
0xb2: {  	_ =	swait.ge [sflag:s29], $0x1  }
0xb3: {  	[sflag:s29] =	ssyncadd.s32 $0xFFFFFFFF  }
0xb4: {  	_ =	strace $0x90000058  }
0xb5: {  	_ =	sfence  }
0xb6: {  	s30 =	sld [smem:$0x0];
	_ =	sdelay $0x2  }
0xb7: {  	s31 =	sshll.u32 s1, $0xD;
	s1 =	sshrl.u32 s1, $0x2  }
0xb8: {  	s3 =	sand.u32 $0x4000, s31;
	s1 =	sadd.s32 s1, s30  }
0xb9: {  	s0 =	sor.u32 s3, s0;
	s1 =	sshll.u32 s1, $0x11  }
0xba: {  	s0 =	sor.u32 s1, s0  }
0xbb: {  	s0 =	sadd.s32 $0x8F2B, s0  }
0xbc: {  	[sflag:s0] =	ssyncadd.remote.s32 $0x1  }
0xbd: {  	_ =	sfence.sel $0xFFFF  }
0xbe: {  	[dreg:$0x0] =	wrdreg $0xFFFFFFFF;
	(pc) =	sbr.abs _section_cstart, $3  }
0xbf: {  	[dreg:$0x1] =	wrdreg $0xFFFFFFFF  }
0xc0: {  	_ =	task.clear_ibuf [dreg:s6], $0x2FFFF;
	_ =	strace $0x9FFFFFFF  }
0xc1: {  	(tm) =	ssettm $0x7FFFFFFF  }
tec
execute0_lowered:
.L_overlay_start_1:
0x0: {  	(tag) =	ssettag $0x1  }
0x1: {  	s7 =	rddreg [dreg:$0x0]  }
0x2: {  	s0 =	rddreg [dreg:$0x1];
	s1 =	simm.s32 $0x0;
	s3 =	srdreg.scid  }
0x3: {  	s9 =	simm.s32 $0x5;
	s10 =	simm.s32 $0x4;
	s11 =	simm.s32 $0x0  }
0x4: {  	[smem:$0x7FF] =	sst s1;
	s2 =	sadd.s32 $0xD2A00, s7;
	s4 =	sadd.s32 $0xD2200, s7  }
0x5: {  	s5 =	sadd.s32 $0x11A00, s7;
	s6 =	sand.u32 $0x1, s3;
	s3 =	stileid.u32  }
0x6: {  	_ =	strace $0x80000050;
	s8 =	ssub.s32 $0x2, s6;
	s6 =	sshll.u32 s6, $0x4  }
0x7: {  	v2 =	vlaneseq.u32;
	[dreg:$0x2] =	wrdreg s5;
	s31 =	sshrl.u32 s8, $0x1;
	s6 =	sor.u32 s3, s6  }
0x8: {  	vm0 =	vmmov $0xffff;
	vm1 =	vmmov $0xff;
	v1 =	vshrl.u32 v2, $0x3;
	s8 =	ssub.s32 s8, s31;
	s5 =	sshll.u32 s6, $0x2;
	s6 =	sshll.u32 s6, $0x6  }
0x9: {  	s7 =	sadd.s32 $0xD2B00, s7;
	v0 =	vand.u32 $0x7, v2;
	v2 =	vor.u32 $0x8, v2;
	v1 =	vmul.u32 $0x8, v1;
	s6 =	sadd.s32 s4, s6;
	s8 =	smax.u32 s8, $0x1  }
.LBB2_1:
0xa: {  	_ =	strace $0x80000051;
	s12 =	simm.s32 $0x4  }
0xb: {  	s13 =	simm.s32 $0x0;
	s14 =	simm.s32 $0x0;
	s15 =	simm.s32 $0x0  }
0xc: {  	[tilespmem:s1], [sflag:$0x1] =	stream.linear.gather [hbm4b:s6+s1], $0x80, $0x200038;
	[tilespmem:$0x18100] =	vst v63  }
0xd: {  	s16 =	simm.s32 $0x0;
	s17 =	simm.s32 $0x1;
	_ =	strace $0x90000051  }
.LBB2_2:
0xe: {  	s18 =	smov.u32 s13;
	s13 =	sadd.s32 $0x1, s13  }
0xf: {  	p0 =	seq.s32 s13, $0x4  }
0x10: {  	s13 =	simm.s32 @p0 $0x0  }
0x11: {  	p6 =	sne.s32 s12, $0x1;
	p1 =	sne.s32 s18, s13  }
0x12: {  	p0 =	por !p6, !p1  }
0x13: {  	p0 =	por !p0, !p0  }
0x14: {  	s19 =	sadd.s32 @p0 s5, s13  }
0x15: {  	s20 =	sand.u32 @p0 $0x1, s17;
	s19 =	sshll.u32 @p0 s19, $0x4  }
0x16: {  	_ =	strace @p0 $0x80000052;
	s22 =	simm.s32 @p0 $0x0;
	s19 =	sand.u32 @p0 $0x1FFFFFF0, s19  }
0x17: {  	s21 =	sshll.u32 @p0 s20, $0x7;
	s20 =	sadd.s32 @p0 $0x1, s20;
	s19 =	sadd.s32 @p0 s4, s19  }
0x18: {  	[tilespmem:s21], [sflag:s20] =	stream.linear.gather @p0 [hbm4b:s19+s22], $0x80, $0x200038;
	[tilespmem:$0x18100] =	vst v63  }
0x19: {  	s28 =	sand.u32 $0x1, s16;
	_ =	strace @p0 $0x90000052  }
0x1a: {  	s19 =	sadd.s32 $0x1, s28;
	_ =	strace $0x80000053  }
0x1b: {  	_ =	swait.ge [sflag:s19], $0x80  }
0x1c: {  	[sflag:s19] =	ssyncset.done $0x0  }
0x1d: {  	[sflag:s19] =	ssyncadd.s32 $0xFFFFFF80  }
0x1e: {  	s29 =	sshll.u32 s16, $0x7;
	_ =	strace $0x90000053  }
0x1f: {  	s22 =	sand.u32 $0x80, s29;
	_ =	strace $0x80000054  }
0x20: {  	v3 =	vld [tilespmem:s22+$0x0];
	_ =	sdelay $0x4  }
0x21: {  	v4 =	vshrl.u32 v3, $0x3  }
0x22: {  	v4 =	vmul.u32 $0x18, v4  }
0x23: {  	v3 =	vand.u32 $0x7, v3  }
0x24: {  	v3 =	vor.u32 v3, v4  }
0x25: {  	v4 =	vperm.xlane v3, v0;
	_ =	sdelay $0x1  }
0x26: {  	s19 =	sand.u32 $0x1, s15;
	v4 =	vadd.s32 v1, v4  }
0x27: {  	s30 =	smul.u32 $0x30000, s19  }
0x28: {  	v3 =	vperm.xlane v3, v2  }
0x29: {  	s21 =	sshrl.u32 s30, $0x2  }
0x2a: {  	s20 =	sor.u32 $0x100, s21;
	v3 =	vadd.s32 v1, v3  }
0x2b: {  	[tilespmem:s20], [sflag:$0x5] =	stream.indirect_vreg.gather [hbm4b:s2+s1], $0x80, v4, vm0, $0x2000b8;
	[tilespmem:$0x18100] =	vst v63  }
0x2c: {  	s23 =	sor.u32 $0x900, s21  }
0x2d: {  	[tilespmem:s23], [sflag:$0x5] =	stream.indirect_vreg.gather [hbm4b:s7+s1], $0x80, v4, vm1, $0x2000b8;
	[tilespmem:$0x18100] =	vst v63  }
0x2e: {  	s31 =	sor.u32 $0xD00, s21  }
0x2f: {  	[tilespmem:s31], [sflag:$0x5] =	stream.indirect_vreg.gather [hbm4b:s2+s1], $0x80, v3, vm0, $0x2000b8;
	[tilespmem:$0x18100] =	vst v63  }
0x30: {  	s24 =	sor.u32 $0x1500, s21  }
0x31: {  	[tilespmem:s24], [sflag:$0x5] =	stream.indirect_vreg.gather [hbm4b:s7+s1], $0x80, v3, vm1, $0x2000b8;
	[tilespmem:$0x18100] =	vst v63  }
0x32: {  	v3 =	vld [tilespmem:s22+$0x10];
	_ =	sdelay $0x4  }
0x33: {  	v57 =	vshrl.u32 v3, $0x3  }
0x34: {  	v4 =	vmul.u32 $0x18, v57  }
0x35: {  	v3 =	vand.u32 $0x7, v3  }
0x36: {  	v3 =	vor.u32 v3, v4  }
0x37: {  	v4 =	vperm.xlane v3, v0;
	_ =	sdelay $0x1  }
0x38: {  	v4 =	vadd.s32 v1, v4;
	_ =	sdelay $0x1  }
0x39: {  	v3 =	vperm.xlane v3, v2;
	_ =	sdelay $0x1  }
0x3a: {  	s25 =	sor.u32 $0x1900, s21;
	v3 =	vadd.s32 v1, v3  }
0x3b: {  	[tilespmem:s25], [sflag:$0x5] =	stream.indirect_vreg.gather [hbm4b:s2+s1], $0x80, v4, vm0, $0x2000b8;
	[tilespmem:$0x18100] =	vst v63  }
0x3c: {  	s26 =	sor.u32 $0x2100, s21  }
0x3d: {  	[tilespmem:s26], [sflag:$0x5] =	stream.indirect_vreg.gather [hbm4b:s7+s1], $0x80, v4, vm1, $0x2000b8;
	[tilespmem:$0x18100] =	vst v63  }
0x3e: {  	s28 =	sor.u32 $0x2500, s21  }
0x3f: {  	[tilespmem:s28], [sflag:$0x5] =	stream.indirect_vreg.gather [hbm4b:s2+s1], $0x80, v3, vm0, $0x2000b8;
	[tilespmem:$0x18100] =	vst v63  }
0x40: {  	s29 =	sor.u32 $0x2D00, s21  }
0x41: {  	[tilespmem:s29], [sflag:$0x5] =	stream.indirect_vreg.gather [hbm4b:s7+s1], $0x80, v3, vm1, $0x2000b8;
	[tilespmem:$0x18100] =	vst v63  }
0x42: {  	v3 =	vld [tilespmem:s22+$0x20];
	_ =	sdelay $0x4  }
0x43: {  	v58 =	vshrl.u32 v3, $0x3  }
0x44: {  	v4 =	vmul.u32 $0x18, v58  }
0x45: {  	v3 =	vand.u32 $0x7, v3  }
0x46: {  	v3 =	vor.u32 v3, v4  }
0x47: {  	v4 =	vperm.xlane v3, v0;
	_ =	sdelay $0x1  }
0x48: {  	v4 =	vadd.s32 v1, v4;
	_ =	sdelay $0x1  }
0x49: {  	v3 =	vperm.xlane v3, v2;
	_ =	sdelay $0x1  }
0x4a: {  	s30 =	sor.u32 $0x3100, s21;
	v3 =	vadd.s32 v1, v3  }
0x4b: {  	[tilespmem:s30], [sflag:$0x5] =	stream.indirect_vreg.gather [hbm4b:s2+s1], $0x80, v4, vm0, $0x2000b8;
	[tilespmem:$0x18100] =	vst v63  }
0x4c: {  	s31 =	sor.u32 $0x3900, s21  }
0x4d: {  	[tilespmem:s31], [sflag:$0x5] =	stream.indirect_vreg.gather [hbm4b:s7+s1], $0x80, v4, vm1, $0x2000b8;
	[tilespmem:$0x18100] =	vst v63  }
0x4e: {  	s24 =	sor.u32 $0x3D00, s21  }
0x4f: {  	[tilespmem:s24], [sflag:$0x5] =	stream.indirect_vreg.gather [hbm4b:s2+s1], $0x80, v3, vm0, $0x2000b8;
	[tilespmem:$0x18100] =	vst v63  }
0x50: {  	s25 =	sadd.s32 $0x4500, s21  }
0x51: {  	[tilespmem:s25], [sflag:$0x5] =	stream.indirect_vreg.gather [hbm4b:s7+s1], $0x80, v3, vm1, $0x2000b8;
	[tilespmem:$0x18100] =	vst v63  }
0x52: {  	v3 =	vld [tilespmem:s22+$0x30];
	_ =	sdelay $0x4  }
0x53: {  	v59 =	vshrl.u32 v3, $0x3  }
0x54: {  	v4 =	vmul.u32 $0x18, v59  }
0x55: {  	v3 =	vand.u32 $0x7, v3  }
0x56: {  	v3 =	vor.u32 v3, v4  }
0x57: {  	v4 =	vperm.xlane v3, v0;
	_ =	sdelay $0x1  }
0x58: {  	v4 =	vadd.s32 v1, v4;
	_ =	sdelay $0x1  }
0x59: {  	v3 =	vperm.xlane v3, v2;
	_ =	sdelay $0x1  }
0x5a: {  	s26 =	sadd.s32 $0x4900, s21;
	v3 =	vadd.s32 v1, v3  }
0x5b: {  	[tilespmem:s26], [sflag:$0x5] =	stream.indirect_vreg.gather [hbm4b:s2+s1], $0x80, v4, vm0, $0x2000b8;
	[tilespmem:$0x18100] =	vst v63  }
0x5c: {  	s28 =	sadd.s32 $0x5100, s21  }
0x5d: {  	[tilespmem:s28], [sflag:$0x5] =	stream.indirect_vreg.gather [hbm4b:s7+s1], $0x80, v4, vm1, $0x2000b8;
	[tilespmem:$0x18100] =	vst v63  }
0x5e: {  	s29 =	sadd.s32 $0x5500, s21  }
0x5f: {  	[tilespmem:s29], [sflag:$0x5] =	stream.indirect_vreg.gather [hbm4b:s2+s1], $0x80, v3, vm0, $0x2000b8;
	[tilespmem:$0x18100] =	vst v63  }
0x60: {  	s30 =	sadd.s32 $0x5D00, s21  }
0x61: {  	[tilespmem:s30], [sflag:$0x5] =	stream.indirect_vreg.gather [hbm4b:s7+s1], $0x80, v3, vm1, $0x2000b8;
	[tilespmem:$0x18100] =	vst v63  }
0x62: {  	v3 =	vld [tilespmem:s22+$0x40];
	_ =	sdelay $0x4  }
0x63: {  	v60 =	vshrl.u32 v3, $0x3  }
0x64: {  	v4 =	vmul.u32 $0x18, v60  }
0x65: {  	v3 =	vand.u32 $0x7, v3  }
0x66: {  	v3 =	vor.u32 v3, v4  }
0x67: {  	v4 =	vperm.xlane v3, v0;
	_ =	sdelay $0x1  }
0x68: {  	v4 =	vadd.s32 v1, v4;
	_ =	sdelay $0x1  }
0x69: {  	v3 =	vperm.xlane v3, v2;
	_ =	sdelay $0x1  }
0x6a: {  	s31 =	sadd.s32 $0x6100, s21;
	v3 =	vadd.s32 v1, v3  }
0x6b: {  	[tilespmem:s31], [sflag:$0x5] =	stream.indirect_vreg.gather [hbm4b:s2+s1], $0x80, v4, vm0, $0x2000b8;
	[tilespmem:$0x18100] =	vst v63  }
0x6c: {  	s24 =	sadd.s32 $0x6900, s21  }
0x6d: {  	[tilespmem:s24], [sflag:$0x5] =	stream.indirect_vreg.gather [hbm4b:s7+s1], $0x80, v4, vm1, $0x2000b8;
	[tilespmem:$0x18100] =	vst v63  }
0x6e: {  	s25 =	sadd.s32 $0x6D00, s21  }
0x6f: {  	[tilespmem:s25], [sflag:$0x5] =	stream.indirect_vreg.gather [hbm4b:s2+s1], $0x80, v3, vm0, $0x2000b8;
	[tilespmem:$0x18100] =	vst v63  }
0x70: {  	s26 =	sadd.s32 $0x7500, s21  }
0x71: {  	[tilespmem:s26], [sflag:$0x5] =	stream.indirect_vreg.gather [hbm4b:s7+s1], $0x80, v3, vm1, $0x2000b8;
	[tilespmem:$0x18100] =	vst v63  }
0x72: {  	v3 =	vld [tilespmem:s22+$0x50];
	_ =	sdelay $0x4  }
0x73: {  	v61 =	vshrl.u32 v3, $0x3  }
0x74: {  	v4 =	vmul.u32 $0x18, v61  }
0x75: {  	v3 =	vand.u32 $0x7, v3  }
0x76: {  	v3 =	vor.u32 v3, v4  }
0x77: {  	v4 =	vperm.xlane v3, v0;
	_ =	sdelay $0x1  }
0x78: {  	v4 =	vadd.s32 v1, v4;
	_ =	sdelay $0x1  }
0x79: {  	v3 =	vperm.xlane v3, v2;
	_ =	sdelay $0x1  }
0x7a: {  	s28 =	sadd.s32 $0x7900, s21;
	v3 =	vadd.s32 v1, v3  }
0x7b: {  	[tilespmem:s28], [sflag:$0x5] =	stream.indirect_vreg.gather [hbm4b:s2+s1], $0x80, v4, vm0, $0x2000b8;
	[tilespmem:$0x18100] =	vst v63  }
0x7c: {  	s29 =	sadd.s32 $0x8100, s21  }
0x7d: {  	[tilespmem:s29], [sflag:$0x5] =	stream.indirect_vreg.gather [hbm4b:s7+s1], $0x80, v4, vm1, $0x2000b8;
	[tilespmem:$0x18100] =	vst v63  }
0x7e: {  	s30 =	sadd.s32 $0x8500, s21  }
0x7f: {  	[tilespmem:s30], [sflag:$0x5] =	stream.indirect_vreg.gather [hbm4b:s2+s1], $0x80, v3, vm0, $0x2000b8;
	[tilespmem:$0x18100] =	vst v63  }
0x80: {  	s31 =	sadd.s32 $0x8D00, s21  }
0x81: {  	[tilespmem:s31], [sflag:$0x5] =	stream.indirect_vreg.gather [hbm4b:s7+s1], $0x80, v3, vm1, $0x2000b8;
	[tilespmem:$0x18100] =	vst v63  }
0x82: {  	v3 =	vld [tilespmem:s22+$0x60];
	_ =	sdelay $0x4  }
0x83: {  	v62 =	vshrl.u32 v3, $0x3  }
0x84: {  	v4 =	vmul.u32 $0x18, v62  }
0x85: {  	v3 =	vand.u32 $0x7, v3  }
0x86: {  	v3 =	vor.u32 v3, v4  }
0x87: {  	v4 =	vperm.xlane v3, v0;
	_ =	sdelay $0x1  }
0x88: {  	v4 =	vadd.s32 v1, v4;
	_ =	sdelay $0x1  }
0x89: {  	v3 =	vperm.xlane v3, v2;
	_ =	sdelay $0x1  }
0x8a: {  	s24 =	sadd.s32 $0x9100, s21;
	v3 =	vadd.s32 v1, v3  }
0x8b: {  	[tilespmem:s24], [sflag:$0x5] =	stream.indirect_vreg.gather [hbm4b:s2+s1], $0x80, v4, vm0, $0x2000b8;
	[tilespmem:$0x18100] =	vst v63  }
0x8c: {  	s25 =	sadd.s32 $0x9900, s21  }
0x8d: {  	[tilespmem:s25], [sflag:$0x5] =	stream.indirect_vreg.gather [hbm4b:s7+s1], $0x80, v4, vm1, $0x2000b8;
	[tilespmem:$0x18100] =	vst v63  }
0x8e: {  	s26 =	sadd.s32 $0x9D00, s21  }
0x8f: {  	[tilespmem:s26], [sflag:$0x5] =	stream.indirect_vreg.gather [hbm4b:s2+s1], $0x80, v3, vm0, $0x2000b8;
	[tilespmem:$0x18100] =	vst v63  }
0x90: {  	s28 =	sadd.s32 $0xA500, s21  }
0x91: {  	[tilespmem:s28], [sflag:$0x5] =	stream.indirect_vreg.gather [hbm4b:s7+s1], $0x80, v3, vm1, $0x2000b8;
	[tilespmem:$0x18100] =	vst v63  }
0x92: {  	v3 =	vld [tilespmem:s22+$0x70];
	_ =	sdelay $0x4  }
0x93: {  	v63 =	vshrl.u32 v3, $0x3  }
0x94: {  	v4 =	vmul.u32 $0x18, v63  }
0x95: {  	v3 =	vand.u32 $0x7, v3  }
0x96: {  	v3 =	vor.u32 v3, v4  }
0x97: {  	v4 =	vperm.xlane v3, v0;
	_ =	sdelay $0x1  }
0x98: {  	v4 =	vadd.s32 v1, v4;
	_ =	sdelay $0x1  }
0x99: {  	v3 =	vperm.xlane v3, v2;
	_ =	sdelay $0x1  }
0x9a: {  	s29 =	sadd.s32 $0xA900, s21;
	v3 =	vadd.s32 v1, v3  }
0x9b: {  	[tilespmem:s29], [sflag:$0x5] =	stream.indirect_vreg.gather [hbm4b:s2+s1], $0x80, v4, vm0, $0x2000b8;
	[tilespmem:$0x18100] =	vst v63  }
0x9c: {  	s30 =	sadd.s32 $0xB100, s21  }
0x9d: {  	[tilespmem:s30], [sflag:$0x5] =	stream.indirect_vreg.gather [hbm4b:s7+s1], $0x80, v4, vm1, $0x2000b8;
	[tilespmem:$0x18100] =	vst v63  }
0x9e: {  	s31 =	sadd.s32 $0xB500, s21  }
0x9f: {  	[tilespmem:s31], [sflag:$0x5] =	stream.indirect_vreg.gather [hbm4b:s2+s1], $0x80, v3, vm0, $0x2000b8;
	[tilespmem:$0x18100] =	vst v63  }
0xa0: {  	s21 =	sadd.s32 $0xBD00, s21  }
0xa1: {  	[tilespmem:s21], [sflag:$0x5] =	stream.indirect_vreg.gather [hbm4b:s7+s1], $0x80, v3, vm1, $0x2000b8;
	[tilespmem:$0x18100] =	vst v63  }
0xa2: {  	_ =	swait.ge [sflag:s9], $0xC000  }
0xa3: {  	[sflag:s9] =	ssyncset.done $0x0  }
0xa4: {  	p2 =	seq.s32 s12, $0x1;
	[sflag:s9] =	ssyncadd.s32 $0xFFFF4000  }
0xa5: {  	s18 =	sadd.s32 s5, s18;
	p1 =	por p2, p1;
	_ =	strace $0x90000054  }
0xa6: {  	s18 =	smul.u32 @p1 $0x1800, s18;
	s22 =	simm.s32 $0x1;
	_ =	strace @p1 $0x80000055  }
0xa7: {  	s19 =	sadd.s32 @p1 $0x3, s19;
	s22 =	simm.s32 @!p0 $0x0;
	s21 =	rddreg [dreg:$0x2]  }
0xa8: {  	p0 =	seq.s32 s12, $0x4;
	s18 =	sadd.s32 @p1 s21, s18;
	s21 =	simm.s32 @p1 $0x0  }
0xa9: {  	[hbm4b:s18+s21] =	stream.linear.scatter @p1 [tilespmem:s20], [sflag:s19], $0xC000, $0x200038;
	[tilespmem:$0x18100] =	vst v63  }
0xaa: {  	s18 =	simm.s32 $0x1;
	s20 =	simm.s32 $0x1;
	_ =	strace @p1 $0x90000055  }
0xab: {  	s18 =	simm.s32 @!p1 $0x0;
	p1 =	sne.s32 s12, $0x4;
	s12 =	sadd.s32 $0xFFFFFFFF, s12  }
0xac: {  	s19 =	sand.u32 @!p0 $0x1, s14;
	s20 =	simm.s32 @!p1 $0x0;
	p1 =	sne.s32 s12, $0x0  }
.Ltmp0:
0xad: {  	s19 =	sadd.s32 @!p0 $0x3, s19;
	_ =	strace @!p0 $0x80000056;
	(pc) =	sbr.rel @p1 .LBB2_2-.Ltmp0, $4  }
0xae: {  	_ =	swait.ge @!p0 [sflag:s19], $0xC000  }
0xaf: {  	[sflag:s19] =	ssyncset.done @!p0 $0x0  }
0xb0: {  	s17 =	sadd.s32 s22, s17;
	s15 =	sadd.s32 s18, s15;
	[sflag:s19] =	ssyncadd.s32 @!p0 $0xFFFF4000  }
0xb1: {  	s16 =	sadd.s32 s18, s16;
	s14 =	sadd.s32 s20, s14;
	_ =	strace @!p0 $0x90000056  }
0xb2: {  	s11 =	sadd.s32 $0x1, s11  }
0xb3: {  	p0 =	sne.s32 s11, s8  }
.Ltmp1:
0xb4: {  	_ =	strace $0x80000057;
	(pc) =	sbr.rel @p0 .LBB2_1-.Ltmp1, $4  }
0xb5: {  	_ =	swait.ge [sflag:s10], $0xC000  }
0xb6: {  	[sflag:s10] =	ssyncset.done $0x0  }
0xb7: {  	[sflag:s10] =	ssyncadd.s32 $0xFFFF4000  }
0xb8: {  	_ =	strace $0x90000057  }
0xb9: {  	_ =	sfence.sel $0x180000  }
0xba: {  	[bflag:$0x0] =	sbarrier.arrive $0xFFFF  }
0xbb: {  	p0 =	sne.s32 s3, $0x0;
	_ =	strace $0x90000050  }
0xbc: {  	s0 =	sadd.s32 @!p0 $0x100000, s0;
	[bflag:$0x2] =	sbarrier.arrive $0xFFFF  }
0xbd: {  	[sflag:s0] =	ssyncadd.tile.s32 @!p0 $0x1;
	_ =	shalt  }
.Lfunc_end2:
_tile_overlayer_lowered:
.L_overlay_start_2:
0xbe: {  	(tag) =	ssettag $0x2  }
0xbf: {  	s0 =	rddreg [dreg:$0x0];
	s2 =	stileid.u32  }
0xc0: {  	s1 =	rddreg [dreg:$0x1];
	p0 =	sne.s32 s2, $0x0  }
0xc1: {  	s3 =	rddreg [dreg:$0x2];
	[bflag:$0x3] =	sbarrier.arrive $0xFFFF;
	s2 =	simm.s32 @!p0 $0x1C01  }
0xc2: {  	[timem:s3], [sflag:s2] =	dma.local @!p0 [hbm:s0], s1  }
0xc3: {  	s0 =	simm.s32 @!p0 $0x1  }
0xc4: {  	_ =	swait.ge @!p0 [sflag:s0], s1  }
0xc5: {  	s1 =	ssub.s32 @!p0 $0x0, s1;
	[sflag:s0] =	ssyncset.done @!p0 $0x0  }
0xc6: {  	[sflag:s0] =	ssyncadd.s32 @!p0 s1  }
0xc7: {  	[bflag:$0x3] =	sbarrier.arrive $0xFFFF  }
0xc8: {  	_ =	shalt  }

// kernel: kernel.8.cloned.1.call-start
scs
__scs_entry_jumppad:
0x0: {  	(pc) =	sbr.rel $0x88, $3  }
0x1: {  	(tag) =	ssettag $0x0;
	lr =	simm.s32 $0x1  }
0x2: {  	[smem:$0x3F96] =	sst lr;
	_ =	strace $0xD0000000  }
0x3: {  	_ = 	snop  }
0x4: {  	_ = 	snop  }
0x5: {  	_ = 	snop  }
0x6: {  	_ = 	snop  }
0x7: {  	_ = 	snop  }
__scs_overlays_trampoline_lowered:
0x8: {  	[smem:$0x3FA5] =	sst s0  }
0x9: {  	[smem:$0x3FA6] =	sst s1  }
0xa: {  	[smem:$0x3FA7] =	sst s2  }
0xb: {  	[smem:$0x3FA8] =	sst s3  }
0xc: {  	[smem:$0x3FA9] =	sst s4  }
0xd: {  	[smem:$0x3FAA] =	sst s5  }
0xe: {  	[smem:$0x3FAB] =	sst s6  }
0xf: {  	[smem:$0x3FAC] =	sst s7  }
0x10: {  	[smem:$0x3FAD] =	sst s8  }
0x11: {  	[smem:$0x3FAE] =	sst s9;
	s0 =	simm.s32 @!p0 $0x0  }
0x12: {  	s1 =	sld [smem:$0x3F94];
	s0 =	simm.s32 @p0 $0x1  }
0x13: {  	[smem:$0x3FAF] =	sst s0;
	s0 =	simm.s32 @!p1 $0x0  }
0x14: {  	s2 =	sld [smem:$0x3F93];
	s0 =	simm.s32 @p1 $0x1  }
0x15: {  	[smem:$0x3FB0] =	sst s0;
	s0 =	simm.s32 @!p2 $0x0  }
0x16: {  	s3 =	sld [smem:$0x3FDB];
	s0 =	simm.s32 @p2 $0x1  }
0x17: {  	s4 =	simm.s32 $0x1BF5;
	[smem:$0x3FB2] =	sst s0  }
0x18: {  	s0 =	sld [smem:$0x3F95];
	_ =	swait.ge [sflag:s4], $0x0  }
0x19: {  	s7 =	sld [smem:$0x3F96]  }
0x1a: {  	s8 =	sadd.s32 $0xFFFFE003, lr  }
0x1b: {  	s9 =	sadd.s32 $0xFFFFFEF7, lr;
	s5 =	simm.s32 $0xFFFFFFFF;
	p2 =	slt.u32 s8, $0xFFFFF086  }
0x1c: {  	p1 =	slt.u32 s9, $0xF7A;
	s5 =	simm.s32 @!p2 $0x0  }
0x1d: {  	s5 =	simm.s32 @p1 $0x1;
	p0 =	seq.s32 s7, s2  }
0x1e: {  	s7 =	smul.u32 @!p0 $0xF7A, s2;
	p2 =	seq.s32 @!p0 s5, $0x0  }
0x1f: {  	s9 =	smul.u32 $0xF7A, s1;
	s8 =	simm.s32 @!p0 $0x1BF5;
	p2 =	por !p2, p0  }
0x20: {  	[sflag:s8] =	ssyncset.s32 @!p0 $0xFFFFF086;
	s6 =	sadd.s32 @!p0 s3, s7;
	s7 =	simm.s32 @!p0 $0x108  }
0x21: {  	s3 =	sadd.s32 s3, s9;
	s6 =	sadd.s32 @!p0 $0x88, s6;
	s7 =	simm.s32 @p2 $0x1082  }
0x22: {  	[simem:s7], [sflag:s8] =	dma.local @!p0 [hbm:s6], $0xF7A  }
0x23: {  	s9 =	sor.u32 $0xD0000000, s2;
	s6 =	simm.s32 $0x108;
	_ =	swait.ge @!p0 [sflag:s8], $0x0  }
0x24: {  	s3 =	sadd.s32 $0x88, s3;
	s6 =	simm.s32 @!p1 $0x1082;
	[sflag:s4] =	ssyncset.s32 $0xFFFFF086  }
0x25: {  	[simem:s6], [sflag:s4] =	dma.local [hbm:s3], $0xF7A  }
0x26: {  	[smem:$0x3F96] =	sst s1;
	(tag) =	ssettag s2;
	_ =	strace s9  }
0x27: {  	s1 =	sld [smem:$0x3FA6]  }
0x28: {  	s2 =	sld [smem:$0x3FA7]  }
0x29: {  	s4 =	sld [smem:$0x3FA9]  }
0x2a: {  	p0 =	seq.s32 s5, $0x0;
	s5 =	sld [smem:$0x3FAA]  }
0x2b: {  	s6 =	sld [smem:$0x3FAB]  }
0x2c: {  	s7 =	sld [smem:$0x3FAC]  }
0x2d: {  	s3 =	simm.s32 $0x108;
	s8 =	sld [smem:$0x3FAD]  }
0x2e: {  	s3 =	simm.s32 @!p0 $0x1082;
	s9 =	sld [smem:$0x3FAE]  }
0x2f: {  	lr =	sadd.s32 s0, s3;
	s0 =	sld [smem:$0x3FA5]  }
0x30: {  	s3 =	sld [smem:$0x3FA8]  }
0x31: {  	[smem:$0x3FB1] =	sst s10  }
0x32: {  	s10 =	sld [smem:$0x3FAF];
	_ =	sdelay $0x3  }
0x33: {  	p0 =	seq.s32 s10, $0x1;
	s10 =	sld [smem:$0x3FB1];
	_ =	sdelay $0x3  }
0x34: {  	[smem:$0x3FB1] =	sst s10  }
0x35: {  	s10 =	sld [smem:$0x3FB0];
	_ =	sdelay $0x3  }
0x36: {  	p1 =	seq.s32 s10, $0x1;
	s10 =	sld [smem:$0x3FB1];
	_ =	sdelay $0x3  }
0x37: {  	[smem:$0x3FB1] =	sst s10  }
0x38: {  	s10 =	sld [smem:$0x3FB2]  }
0x39: {  	_ = 	snop;
	(pc) =	sbr.ind lr, $3  }
0x3a: {  	_ = 	snop  }
0x3b: {  	_ = 	snop  }
0x3c: {  	p2 =	seq.s32 s10, $0x1;
	s10 =	sld [smem:$0x3FB1]  }
0x3d: {  	_ =	shalt  }
0x3e: {  	_ =	shalt  }
0x3f: {  	_ =	shalt  }
0x40: {  	_ =	shalt  }
0x41: {  	_ =	shalt  }
0x42: {  	_ =	shalt  }
0x43: {  	_ =	shalt  }
0x44: {  	_ =	shalt  }
0x45: {  	_ =	shalt  }
0x46: {  	_ =	shalt  }
0x47: {  	_ =	shalt  }
0x48: {  	_ =	shalt  }
0x49: {  	_ =	shalt  }
0x4a: {  	_ =	shalt  }
0x4b: {  	_ =	shalt  }
0x4c: {  	_ =	shalt  }
0x4d: {  	_ =	shalt  }
0x4e: {  	_ =	shalt  }
0x4f: {  	_ =	shalt  }
0x50: {  	_ =	shalt  }
0x51: {  	_ =	shalt  }
0x52: {  	_ =	shalt  }
0x53: {  	_ =	shalt  }
0x54: {  	_ =	shalt  }
0x55: {  	_ =	shalt  }
0x56: {  	_ =	shalt  }
0x57: {  	_ =	shalt  }
0x58: {  	_ =	shalt  }
0x59: {  	_ =	shalt  }
0x5a: {  	_ =	shalt  }
0x5b: {  	_ =	shalt  }
0x5c: {  	_ =	shalt  }
0x5d: {  	_ =	shalt  }
0x5e: {  	_ =	shalt  }
0x5f: {  	_ =	shalt  }
0x60: {  	_ =	shalt  }
0x61: {  	_ =	shalt  }
0x62: {  	_ =	shalt  }
0x63: {  	_ =	shalt  }
0x64: {  	_ =	shalt  }
0x65: {  	_ =	shalt  }
0x66: {  	_ =	shalt  }
0x67: {  	_ =	shalt  }
0x68: {  	_ =	shalt  }
0x69: {  	_ =	shalt  }
0x6a: {  	_ =	shalt  }
0x6b: {  	_ =	shalt  }
0x6c: {  	_ =	shalt  }
0x6d: {  	_ =	shalt  }
0x6e: {  	_ =	shalt  }
0x6f: {  	_ =	shalt  }
0x70: {  	_ =	shalt  }
0x71: {  	_ =	shalt  }
0x72: {  	_ =	shalt  }
0x73: {  	_ =	shalt  }
0x74: {  	_ =	shalt  }
0x75: {  	_ =	shalt  }
0x76: {  	_ =	shalt  }
0x77: {  	_ =	shalt  }
0x78: {  	_ =	shalt  }
0x79: {  	_ =	shalt  }
0x7a: {  	_ =	shalt  }
0x7b: {  	_ =	shalt  }
0x7c: {  	_ =	shalt  }
0x7d: {  	_ =	shalt  }
0x7e: {  	_ =	shalt  }
0x7f: {  	_ =	shalt  }
0x80: {  	_ =	shalt  }
0x81: {  	_ =	shalt  }
0x82: {  	_ =	shalt  }
0x83: {  	_ =	shalt  }
0x84: {  	_ =	shalt  }
0x85: {  	_ =	shalt  }
0x86: {  	_ =	shalt  }
0x87: {  	_ =	shalt  }
.Lfunc_end0:
.L_simem_size_0:
called_computation_lowered:
.L_overlay_start_0:
0x88: {  	s2 =	sld [smem:$0x3FD9]  }
0x89: {  	s3 =	sld [smem:$0x3FFE];
	_ =	sdelay $0x1  }
0x8a: {  	s1 =	srdreg.scid  }
0x8b: {  	s0 =	sand.u32 $0x1, s1  }
0x8c: {  	s17 =	sshll.u32 s0, $0xA;
	s2 =	sadd.s32 s3, s2  }
0x8d: {  	s2 =	sadd.s32 s2, s17  }
0x8e: {  	[smem:$0x3FBD] =	sst s2  }
0x8f: {  	_ = 	snop  }
0x90: {  	s2 =	sld [smem:$0x3FD0];
	(tm) =	ssettm $0x1  }
0x91: {  	s18 =	sld [smem:$0x3FFB];
	_ =	sdelay $0x3  }
0x92: {  	_ =	strace s18  }
0x93: {  	s3 =	sld [smem:$0x3FFC];
	_ =	sdelay $0x3  }
0x94: {  	_ =	strace s3  }
0x95: {  	s3 =	sld [smem:$0x3FFD];
	_ =	sdelay $0x3  }
0x96: {  	_ =	strace s3  }
0x97: {  	_ =	strace $0x8FFFFFFF  }
0x98: {  	s19 =	sld [smem:$0x3FDB];
	_ =	sdelay $0x1  }
0x99: {  	s4 =	simm.s32 $_scs_section_size  }
0x9a: {  	s5 =	simm.s32 $_size__tile_overlayer_lowered;
	s6 =	simm.s32 $_tile_overlayer_lowered  }
0x9b: {  	s22 =	simm.s32 $0x1BFF;
	s21 =	sshll.u32 s6, $0x1;
	s3 =	sadd.s32 s4, s19  }
0x9c: {  	s7 =	simm.s32 $0x0;
	s20 =	sshll.u32 s5, $0x1;
	s5 =	sadd.s32 s21, s3  }
0x9d: {  	[timem:s7], [sflag:s22] =	dma.local [hbm:s5], s20  }
0x9e: {  	_ =	swait.ge [sflag:s22], s20  }
0x9f: {  	s4 =	ssub.s32 $0x0, s20;
	[sflag:s22] =	ssyncset.done $0x0  }
0xa0: {  	[sflag:s22] =	ssyncadd.s32 s4;
	_ =	sdelay $0x1  }
0xa1: {  	s23 =	simm.s32 $0x1B8B  }
0xa2: {  	_ =	swait.ge [sflag:s23], $0x1  }
0xa3: {  	[sflag:s23] =	ssyncset.done $0x0  }
0xa4: {  	s25 =	simm.s32 $0x1B8E;
	s24 =	sld [smem:$0x3FFE];
	[sflag:s23] =	ssyncadd.s32 $0xFFFFFFFF  }
0xa5: {  	s26 =	simm.s32 $execute0_lowered;
	[smem:$0x3FD2] =	sst s25  }
0xa6: {  	s5 =	sshll.u32 s26, $0x1;
	_ =	strace $0x80000046;
	[dreg:$0x1] =	wrdreg $0xFFFFFFFF  }
0xa7: {  	s28 =	simm.s32 $_size_execute0_lowered;
	s3 =	sadd.s32 s3, s5;
	[dreg:$0x0] =	wrdreg $0x0  }
0xa8: {  	s5 =	sshll.u32 s28, $0x1;
	[dreg:$0x2] =	wrdreg s3  }
0xa9: {  	[dreg:$0x3] =	wrdreg s5  }
0xaa: {  	[dreg:$0x4] =	wrdreg $0xC0  }
0xab: {  	_ =	task [dreg:s7], $0x5FFFF  }
0xac: {  	[dreg:$0x1] =	wrdreg $0xFFFFFFFF  }
0xad: {  	[dreg:$0x0] =	wrdreg $0x60  }
0xae: {  	[dreg:$0x2] =	wrdreg s2  }
0xaf: {  	[dreg:$0x3] =	wrdreg s24  }
0xb0: {  	[dreg:$0x4] =	wrdreg $0x9  }
0xb1: {  	_ =	task.clear_ibuf [dreg:s7], $0x5FFFF;
	_ =	strace $0x90000046  }
0xb2: {  	s29 =	simm.s32 $0x9;
	_ =	strace $0x8000004E  }
0xb3: {  	_ =	swait.ge [sflag:s29], $0x1  }
0xb4: {  	[sflag:s29] =	ssyncadd.s32 $0xFFFFFFFF  }
0xb5: {  	_ =	strace $0x9000004E  }
0xb6: {  	_ =	sfence  }
0xb7: {  	s30 =	sld [smem:$0x0];
	_ =	sdelay $0x2  }
0xb8: {  	s31 =	sshll.u32 s1, $0xD;
	s1 =	sshrl.u32 s1, $0x2  }
0xb9: {  	s3 =	sand.u32 $0x4000, s31;
	s1 =	sadd.s32 s1, s30  }
0xba: {  	s0 =	sor.u32 s3, s0;
	s1 =	sshll.u32 s1, $0x11  }
0xbb: {  	s0 =	sor.u32 s1, s0  }
0xbc: {  	s0 =	sadd.s32 $0x8F2B, s0  }
0xbd: {  	[sflag:s0] =	ssyncadd.remote.s32 $0x1  }
0xbe: {  	_ =	sfence.sel $0xFFFF  }
0xbf: {  	[dreg:$0x0] =	wrdreg $0xFFFFFFFF;
	(pc) =	sbr.abs _section_cstart, $3  }
0xc0: {  	[dreg:$0x1] =	wrdreg $0xFFFFFFFF  }
0xc1: {  	_ =	task.clear_ibuf [dreg:s7], $0x2FFFF;
	_ =	strace $0x9FFFFFFF  }
0xc2: {  	(tm) =	ssettm $0x7FFFFFFF  }
0xc3: {  	_ =	shalt  }
tec
execute0_lowered:
.L_overlay_start_1:
0x0: {  	(tag) =	ssettag $0x1  }
0x1: {  	s1 =	rddreg [dreg:$0x0]  }
0x2: {  	s9 =	rddreg [dreg:$0x1]  }
0x3: {  	s0 =	rddreg [dreg:$0x2];
	s2 =	simm.s32 $0x0;
	s3 =	srdreg.scid  }
0x4: {  	s12 =	simm.s32 $0x5;
	s13 =	simm.s32 $0x0;
	[smem:$0x7FF] =	sst s2  }
0x5: {  	s5 =	sand.u32 $0x1, s3;
	s4 =	sadd.s32 $0x11A00, s9;
	s3 =	stileid.u32  }
0x6: {  	_ =	strace $0x80000047;
	s6 =	ssub.s32 $0x2, s5;
	s8 =	sshll.u32 s5, $0x4  }
0x7: {  	s10 =	smul.u32 $0x6000, s3;
	s5 =	sadd.s32 $0x12200, s9;
	s7 =	sshrl.u32 s6, $0x1  }
0x8: {  	v2 =	vlaneseq.u32;
	s9 =	sadd.s32 $0x12300, s9;
	s8 =	sor.u32 s3, s8;
	s11 =	ssub.s32 s6, s7  }
0x9: {  	vm0 =	vmmov $0xffff;
	vm1 =	vmmov $0xff;
	v1 =	vshrl.u32 v2, $0x3;
	s6 =	sshll.u32 s8, $0x2;
	s7 =	sadd.s32 s1, s10;
	s8 =	sshll.u32 s8, $0x6  }
0xa: {  	v0 =	vand.u32 $0x7, v2;
	v2 =	vor.u32 $0x8, v2;
	v1 =	vmul.u32 $0x8, v1;
	s8 =	sadd.s32 s4, s8;
	s10 =	smax.u32 s11, $0x1;
	s11 =	simm.s32 $0x18000  }
.LBB2_1:
0xb: {  	_ =	strace $0x80000048;
	s14 =	simm.s32 $0x4  }
0xc: {  	[tilespmem:s2], [sflag:$0x1] =	stream.linear.gather [hbm4b:s7+s2], $0xC000, $0x200038;
	[tilespmem:$0x18100] =	vst v63  }
0xd: {  	s15 =	simm.s32 $0x0;
	s16 =	simm.s32 $0x0;
	s17 =	simm.s32 $0x1  }
0xe: {  	[tilespmem:s11], [sflag:$0x3] =	stream.linear.gather [hbm4b:s8+s2], $0x80, $0x200038;
	[tilespmem:$0x18100] =	vst v63  }
0xf: {  	s18 =	simm.s32 $0x0;
	s19 =	simm.s32 $0x1;
	_ =	strace $0x90000048  }
.LBB2_2:
0x10: {  	s20 =	smov.u32 s15;
	s15 =	sadd.s32 $0x1, s15  }
0x11: {  	p0 =	seq.s32 s15, $0x4  }
0x12: {  	s15 =	simm.s32 @p0 $0x0  }
0x13: {  	s21 =	sadd.s32 s6, s20;
	s22 =	sadd.s32 s6, s15  }
0x14: {  	s21 =	sand.u32 $0x3F, s21;
	s23 =	sand.u32 $0x3F, s22  }
0x15: {  	p3 =	sne.s32 s14, $0x1;
	p0 =	sne.s32 s21, s23  }
0x16: {  	p1 =	por !p3, !p0  }
0x17: {  	p4 =	seq.s32 s20, $0x0;
	p2 =	por !p1, !p1  }
0x18: {  	p1 =	sne.s32 s20, s15;
	s24 =	sand.u32 @p2 $0x1, s19;
	s23 =	smul.u32 @p2 $0x1800, s23  }
0x19: {  	_ =	strace @p2 $0x80000049;
	p3 =	por !p3, !p1;
	s25 =	smul.u32 @p2 $0x30000, s24  }
0x1a: {  	s26 =	simm.s32 @p2 $0x0;
	s24 =	sadd.s32 @p2 $0x1, s24;
	p3 =	por !p3, !p3  }
0x1b: {  	s23 =	sadd.s32 @p2 s1, s23;
	s22 =	sshll.u32 @p3 s22, $0x4;
	s25 =	sshrl.u32 @p2 s25, $0x2  }
0x1c: {  	[tilespmem:s25], [sflag:s24] =	stream.linear.gather @p2 [hbm4b:s23+s26], $0xC000, $0x200038;
	[tilespmem:$0x18100] =	vst v63  }
0x1d: {  	s22 =	sand.u32 @p3 $0x1FFFFFF0, s22;
	s23 =	sadd.s32 $0x3F, s20;
	s20 =	sand.u32 @p3 $0x1, s17  }
0x1e: {  	s22 =	sadd.s32 @p3 s4, s22;
	s25 =	simm.s32 @p3 $0x0;
	s23 =	simm.s32 @p4 $0x3  }
0x1f: {  	_ =	strace @p2 $0x90000049;
	s24 =	sshll.u32 @p3 s20, $0x7;
	s20 =	sadd.s32 @p3 $0x3, s20  }
0x20: {  	_ =	strace @p3 $0x8000004A;
	s23 =	sadd.s32 s6, s23;
	s24 =	sor.u32 @p3 $0x18000, s24  }
0x21: {  	[tilespmem:s24], [sflag:s20] =	stream.linear.gather @p3 [hbm4b:s22+s25], $0x80, $0x200038;
	[tilespmem:$0x18100] =	vst v63  }
0x22: {  	p4 =	seq.s32 s14, $0x4;
	s20 =	sand.u32 $0x3F, s23  }
0x23: {  	p5 =	seq.s32 @!p4 s21, s20  }
0x24: {  	_ =	strace @p3 $0x9000004A;
	s20 =	sand.u32 $0x1, s18;
	p4 =	por p4, !p5  }
0x25: {  	_ =	strace @p4 $0x8000004B;
	s21 =	sadd.s32 @p4 $0x1, s20  }
0x26: {  	_ =	swait.ge @p4 [sflag:s21], $0xC000  }
0x27: {  	[sflag:s21] =	ssyncset.done @p4 $0x0  }
0x28: {  	[sflag:s21] =	ssyncadd.s32 @p4 $0xFFFF4000  }
0x29: {  	s23 =	sand.u32 $0x1, s16;
	_ =	strace @p4 $0x9000004B  }
0x2a: {  	s21 =	sadd.s32 $0x3, s23;
	_ =	strace $0x8000004C  }
0x2b: {  	_ =	swait.ge [sflag:s21], $0x80  }
0x2c: {  	[sflag:s21] =	ssyncset.done $0x0  }
0x2d: {  	[sflag:s21] =	ssyncadd.s32 $0xFFFFFF80  }
0x2e: {  	s24 =	sshll.u32 s16, $0x7;
	_ =	strace $0x9000004C  }
0x2f: {  	s21 =	sand.u32 $0x80, s24;
	_ =	strace $0x8000004D  }
0x30: {  	v3 =	vld [tilespmem:s21+$0x18000];
	_ =	sdelay $0x4  }
0x31: {  	v4 =	vshrl.u32 v3, $0x3  }
0x32: {  	v4 =	vmul.u32 $0x18, v4  }
0x33: {  	v3 =	vand.u32 $0x7, v3  }
0x34: {  	v3 =	vor.u32 v3, v4  }
0x35: {  	v4 =	vperm.xlane v3, v0;
	_ =	sdelay $0x1  }
0x36: {  	v4 =	vadd.s32 v1, v4;
	_ =	sdelay $0x1  }
0x37: {  	v3 =	vperm.xlane v3, v2  }
0x38: {  	p4 =	seq.s32 s20, $0x1;
	s20 =	simm.s32 $0xC000  }
0x39: {  	s20 =	simm.s32 @!p4 $0x0;
	v3 =	vadd.s32 v1, v3  }
0x3a: {  	[hbm4b:s5+s2] =	stream.indirect_vreg.scatter [tilespmem:s20], [sflag:$0x5], $0x80, v4, vm0, $0x2000b8;
	[tilespmem:$0x18100] =	vst v63  }
0x3b: {  	s25 =	sor.u32 $0x800, s20  }
0x3c: {  	[hbm4b:s9+s2] =	stream.indirect_vreg.scatter [tilespmem:s25], [sflag:$0x5], $0x80, v4, vm1, $0x2000b8;
	[tilespmem:$0x18100] =	vst v63  }
0x3d: {  	s26 =	sor.u32 $0xC00, s20  }
0x3e: {  	[hbm4b:s5+s2] =	stream.indirect_vreg.scatter [tilespmem:s26], [sflag:$0x5], $0x80, v3, vm0, $0x2000b8;
	[tilespmem:$0x18100] =	vst v63  }
0x3f: {  	s28 =	sor.u32 $0x1400, s20  }
0x40: {  	[hbm4b:s9+s2] =	stream.indirect_vreg.scatter [tilespmem:s28], [sflag:$0x5], $0x80, v3, vm1, $0x2000b8;
	[tilespmem:$0x18100] =	vst v63  }
0x41: {  	v3 =	vld [tilespmem:s21+$0x18010];
	_ =	sdelay $0x4  }
0x42: {  	v57 =	vshrl.u32 v3, $0x3  }
0x43: {  	v4 =	vmul.u32 $0x18, v57  }
0x44: {  	v3 =	vand.u32 $0x7, v3  }
0x45: {  	v3 =	vor.u32 v3, v4  }
0x46: {  	v4 =	vperm.xlane v3, v0;
	_ =	sdelay $0x1  }
0x47: {  	v4 =	vadd.s32 v1, v4;
	_ =	sdelay $0x1  }
0x48: {  	v3 =	vperm.xlane v3, v2;
	_ =	sdelay $0x1  }
0x49: {  	s29 =	sor.u32 $0x1800, s20;
	v3 =	vadd.s32 v1, v3  }
0x4a: {  	[hbm4b:s5+s2] =	stream.indirect_vreg.scatter [tilespmem:s29], [sflag:$0x5], $0x80, v4, vm0, $0x2000b8;
	[tilespmem:$0x18100] =	vst v63  }
0x4b: {  	s30 =	sor.u32 $0x2000, s20  }
0x4c: {  	[hbm4b:s9+s2] =	stream.indirect_vreg.scatter [tilespmem:s30], [sflag:$0x5], $0x80, v4, vm1, $0x2000b8;
	[tilespmem:$0x18100] =	vst v63  }
0x4d: {  	s31 =	sor.u32 $0x2400, s20  }
0x4e: {  	[hbm4b:s5+s2] =	stream.indirect_vreg.scatter [tilespmem:s31], [sflag:$0x5], $0x80, v3, vm0, $0x2000b8;
	[tilespmem:$0x18100] =	vst v63  }
0x4f: {  	s23 =	sor.u32 $0x2C00, s20  }
0x50: {  	[hbm4b:s9+s2] =	stream.indirect_vreg.scatter [tilespmem:s23], [sflag:$0x5], $0x80, v3, vm1, $0x2000b8;
	[tilespmem:$0x18100] =	vst v63  }
0x51: {  	v3 =	vld [tilespmem:s21+$0x18020];
	_ =	sdelay $0x4  }
0x52: {  	v58 =	vshrl.u32 v3, $0x3  }
0x53: {  	v4 =	vmul.u32 $0x18, v58  }
0x54: {  	v3 =	vand.u32 $0x7, v3  }
0x55: {  	v3 =	vor.u32 v3, v4  }
0x56: {  	v4 =	vperm.xlane v3, v0;
	_ =	sdelay $0x1  }
0x57: {  	v4 =	vadd.s32 v1, v4;
	_ =	sdelay $0x1  }
0x58: {  	v3 =	vperm.xlane v3, v2;
	_ =	sdelay $0x1  }
0x59: {  	s24 =	sor.u32 $0x3000, s20;
	v3 =	vadd.s32 v1, v3  }
0x5a: {  	[hbm4b:s5+s2] =	stream.indirect_vreg.scatter [tilespmem:s24], [sflag:$0x5], $0x80, v4, vm0, $0x2000b8;
	[tilespmem:$0x18100] =	vst v63  }
0x5b: {  	s25 =	sor.u32 $0x3800, s20  }
0x5c: {  	[hbm4b:s9+s2] =	stream.indirect_vreg.scatter [tilespmem:s25], [sflag:$0x5], $0x80, v4, vm1, $0x2000b8;
	[tilespmem:$0x18100] =	vst v63  }
0x5d: {  	s26 =	sor.u32 $0x3C00, s20  }
0x5e: {  	[hbm4b:s5+s2] =	stream.indirect_vreg.scatter [tilespmem:s26], [sflag:$0x5], $0x80, v3, vm0, $0x2000b8;
	[tilespmem:$0x18100] =	vst v63  }
0x5f: {  	s28 =	sadd.s32 $0x4400, s20  }
0x60: {  	[hbm4b:s9+s2] =	stream.indirect_vreg.scatter [tilespmem:s28], [sflag:$0x5], $0x80, v3, vm1, $0x2000b8;
	[tilespmem:$0x18100] =	vst v63  }
0x61: {  	v3 =	vld [tilespmem:s21+$0x18030];
	_ =	sdelay $0x4  }
0x62: {  	v59 =	vshrl.u32 v3, $0x3  }
0x63: {  	v4 =	vmul.u32 $0x18, v59  }
0x64: {  	v3 =	vand.u32 $0x7, v3  }
0x65: {  	v3 =	vor.u32 v3, v4  }
0x66: {  	v4 =	vperm.xlane v3, v0;
	_ =	sdelay $0x1  }
0x67: {  	v4 =	vadd.s32 v1, v4;
	_ =	sdelay $0x1  }
0x68: {  	v3 =	vperm.xlane v3, v2;
	_ =	sdelay $0x1  }
0x69: {  	s29 =	sadd.s32 $0x4800, s20;
	v3 =	vadd.s32 v1, v3  }
0x6a: {  	[hbm4b:s5+s2] =	stream.indirect_vreg.scatter [tilespmem:s29], [sflag:$0x5], $0x80, v4, vm0, $0x2000b8;
	[tilespmem:$0x18100] =	vst v63  }
0x6b: {  	s30 =	sadd.s32 $0x5000, s20  }
0x6c: {  	[hbm4b:s9+s2] =	stream.indirect_vreg.scatter [tilespmem:s30], [sflag:$0x5], $0x80, v4, vm1, $0x2000b8;
	[tilespmem:$0x18100] =	vst v63  }
0x6d: {  	s31 =	sadd.s32 $0x5400, s20  }
0x6e: {  	[hbm4b:s5+s2] =	stream.indirect_vreg.scatter [tilespmem:s31], [sflag:$0x5], $0x80, v3, vm0, $0x2000b8;
	[tilespmem:$0x18100] =	vst v63  }
0x6f: {  	s23 =	sadd.s32 $0x5C00, s20  }
0x70: {  	[hbm4b:s9+s2] =	stream.indirect_vreg.scatter [tilespmem:s23], [sflag:$0x5], $0x80, v3, vm1, $0x2000b8;
	[tilespmem:$0x18100] =	vst v63  }
0x71: {  	v3 =	vld [tilespmem:s21+$0x18040];
	_ =	sdelay $0x4  }
0x72: {  	v60 =	vshrl.u32 v3, $0x3  }
0x73: {  	v4 =	vmul.u32 $0x18, v60  }
0x74: {  	v3 =	vand.u32 $0x7, v3  }
0x75: {  	v3 =	vor.u32 v3, v4  }
0x76: {  	v4 =	vperm.xlane v3, v0;
	_ =	sdelay $0x1  }
0x77: {  	v4 =	vadd.s32 v1, v4;
	_ =	sdelay $0x1  }
0x78: {  	v3 =	vperm.xlane v3, v2;
	_ =	sdelay $0x1  }
0x79: {  	s24 =	sadd.s32 $0x6000, s20;
	v3 =	vadd.s32 v1, v3  }
0x7a: {  	[hbm4b:s5+s2] =	stream.indirect_vreg.scatter [tilespmem:s24], [sflag:$0x5], $0x80, v4, vm0, $0x2000b8;
	[tilespmem:$0x18100] =	vst v63  }
0x7b: {  	s25 =	sadd.s32 $0x6800, s20  }
0x7c: {  	[hbm4b:s9+s2] =	stream.indirect_vreg.scatter [tilespmem:s25], [sflag:$0x5], $0x80, v4, vm1, $0x2000b8;
	[tilespmem:$0x18100] =	vst v63  }
0x7d: {  	s26 =	sadd.s32 $0x6C00, s20  }
0x7e: {  	[hbm4b:s5+s2] =	stream.indirect_vreg.scatter [tilespmem:s26], [sflag:$0x5], $0x80, v3, vm0, $0x2000b8;
	[tilespmem:$0x18100] =	vst v63  }
0x7f: {  	s28 =	sadd.s32 $0x7400, s20  }
0x80: {  	[hbm4b:s9+s2] =	stream.indirect_vreg.scatter [tilespmem:s28], [sflag:$0x5], $0x80, v3, vm1, $0x2000b8;
	[tilespmem:$0x18100] =	vst v63  }
0x81: {  	v3 =	vld [tilespmem:s21+$0x18050];
	_ =	sdelay $0x4  }
0x82: {  	v61 =	vshrl.u32 v3, $0x3  }
0x83: {  	v4 =	vmul.u32 $0x18, v61  }
0x84: {  	v3 =	vand.u32 $0x7, v3  }
0x85: {  	v3 =	vor.u32 v3, v4  }
0x86: {  	v4 =	vperm.xlane v3, v0;
	_ =	sdelay $0x1  }
0x87: {  	v4 =	vadd.s32 v1, v4;
	_ =	sdelay $0x1  }
0x88: {  	v3 =	vperm.xlane v3, v2;
	_ =	sdelay $0x1  }
0x89: {  	s29 =	sadd.s32 $0x7800, s20;
	v3 =	vadd.s32 v1, v3  }
0x8a: {  	[hbm4b:s5+s2] =	stream.indirect_vreg.scatter [tilespmem:s29], [sflag:$0x5], $0x80, v4, vm0, $0x2000b8;
	[tilespmem:$0x18100] =	vst v63  }
0x8b: {  	s30 =	sadd.s32 $0x8000, s20  }
0x8c: {  	[hbm4b:s9+s2] =	stream.indirect_vreg.scatter [tilespmem:s30], [sflag:$0x5], $0x80, v4, vm1, $0x2000b8;
	[tilespmem:$0x18100] =	vst v63  }
0x8d: {  	s31 =	sadd.s32 $0x8400, s20  }
0x8e: {  	[hbm4b:s5+s2] =	stream.indirect_vreg.scatter [tilespmem:s31], [sflag:$0x5], $0x80, v3, vm0, $0x2000b8;
	[tilespmem:$0x18100] =	vst v63  }
0x8f: {  	s23 =	sadd.s32 $0x8C00, s20  }
0x90: {  	[hbm4b:s9+s2] =	stream.indirect_vreg.scatter [tilespmem:s23], [sflag:$0x5], $0x80, v3, vm1, $0x2000b8;
	[tilespmem:$0x18100] =	vst v63  }
0x91: {  	v3 =	vld [tilespmem:s21+$0x18060];
	_ =	sdelay $0x4  }
0x92: {  	v62 =	vshrl.u32 v3, $0x3  }
0x93: {  	v4 =	vmul.u32 $0x18, v62  }
0x94: {  	v3 =	vand.u32 $0x7, v3  }
0x95: {  	v3 =	vor.u32 v3, v4  }
0x96: {  	v4 =	vperm.xlane v3, v0;
	_ =	sdelay $0x1  }
0x97: {  	v4 =	vadd.s32 v1, v4;
	_ =	sdelay $0x1  }
0x98: {  	v3 =	vperm.xlane v3, v2;
	_ =	sdelay $0x1  }
0x99: {  	s24 =	sadd.s32 $0x9000, s20;
	v3 =	vadd.s32 v1, v3  }
0x9a: {  	[hbm4b:s5+s2] =	stream.indirect_vreg.scatter [tilespmem:s24], [sflag:$0x5], $0x80, v4, vm0, $0x2000b8;
	[tilespmem:$0x18100] =	vst v63  }
0x9b: {  	s25 =	sadd.s32 $0x9800, s20  }
0x9c: {  	[hbm4b:s9+s2] =	stream.indirect_vreg.scatter [tilespmem:s25], [sflag:$0x5], $0x80, v4, vm1, $0x2000b8;
	[tilespmem:$0x18100] =	vst v63  }
0x9d: {  	s26 =	sadd.s32 $0x9C00, s20  }
0x9e: {  	[hbm4b:s5+s2] =	stream.indirect_vreg.scatter [tilespmem:s26], [sflag:$0x5], $0x80, v3, vm0, $0x2000b8;
	[tilespmem:$0x18100] =	vst v63  }
0x9f: {  	s28 =	sadd.s32 $0xA400, s20  }
0xa0: {  	[hbm4b:s9+s2] =	stream.indirect_vreg.scatter [tilespmem:s28], [sflag:$0x5], $0x80, v3, vm1, $0x2000b8;
	[tilespmem:$0x18100] =	vst v63  }
0xa1: {  	v3 =	vld [tilespmem:s21+$0x18070];
	_ =	sdelay $0x4  }
0xa2: {  	v63 =	vshrl.u32 v3, $0x3  }
0xa3: {  	v4 =	vmul.u32 $0x18, v63  }
0xa4: {  	v3 =	vand.u32 $0x7, v3  }
0xa5: {  	v3 =	vor.u32 v3, v4  }
0xa6: {  	v4 =	vperm.xlane v3, v0;
	_ =	sdelay $0x1  }
0xa7: {  	v4 =	vadd.s32 v1, v4;
	_ =	sdelay $0x1  }
0xa8: {  	v3 =	vperm.xlane v3, v2;
	_ =	sdelay $0x1  }
0xa9: {  	s29 =	sadd.s32 $0xA800, s20;
	v3 =	vadd.s32 v1, v3  }
0xaa: {  	[hbm4b:s5+s2] =	stream.indirect_vreg.scatter [tilespmem:s29], [sflag:$0x5], $0x80, v4, vm0, $0x2000b8;
	[tilespmem:$0x18100] =	vst v63  }
0xab: {  	s30 =	sadd.s32 $0xB000, s20  }
0xac: {  	[hbm4b:s9+s2] =	stream.indirect_vreg.scatter [tilespmem:s30], [sflag:$0x5], $0x80, v4, vm1, $0x2000b8;
	[tilespmem:$0x18100] =	vst v63  }
0xad: {  	s31 =	sadd.s32 $0xB400, s20  }
0xae: {  	[hbm4b:s5+s2] =	stream.indirect_vreg.scatter [tilespmem:s31], [sflag:$0x5], $0x80, v3, vm0, $0x2000b8;
	[tilespmem:$0x18100] =	vst v63  }
0xaf: {  	p6 =	seq.s32 s14, $0x1;
	s20 =	sadd.s32 $0xBC00, s20  }
0xb0: {  	[hbm4b:s9+s2] =	stream.indirect_vreg.scatter [tilespmem:s20], [sflag:$0x5], $0x80, v3, vm1, $0x2000b8;
	[tilespmem:$0x18100] =	vst v63  }
0xb1: {  	p0 =	por p6, p0;
	s14 =	sadd.s32 $0xFFFFFFFF, s14;
	s20 =	simm.s32 $0x1  }
0xb2: {  	p1 =	por p6, p1;
	s20 =	simm.s32 @!p0 $0x0;
	p0 =	sne.s32 s14, $0x0  }
.Ltmp0:
0xb3: {  	s22 =	simm.s32 $0x1;
	s21 =	simm.s32 $0x1;
	(pc) =	sbr.rel @p0 .LBB2_2-.Ltmp0, $4  }
0xb4: {  	s22 =	simm.s32 @!p3 $0x0;
	s21 =	simm.s32 @!p2 $0x0;
	_ =	swait.ge [sflag:s12], $0xC000  }
0xb5: {  	s19 =	sadd.s32 s21, s19;
	s21 =	simm.s32 $0x1;
	[sflag:s12] =	ssyncset.done $0x0  }
0xb6: {  	s17 =	sadd.s32 s22, s17;
	s21 =	simm.s32 @!p1 $0x0;
	[sflag:s12] =	ssyncadd.s32 $0xFFFF4000  }
0xb7: {  	s16 =	sadd.s32 s21, s16;
	s18 =	sadd.s32 s20, s18;
	_ =	strace $0x9000004D  }
0xb8: {  	s13 =	sadd.s32 $0x1, s13  }
0xb9: {  	p0 =	sne.s32 s13, s10  }
.Ltmp1:
0xba: {  	_ = 	snop;
	(pc) =	sbr.rel @p0 .LBB2_1-.Ltmp1, $1  }
0xbb: {  	_ =	sdelay $0x3  }
0xbc: {  	_ =	sfence.sel $0x180000  }
0xbd: {  	[bflag:$0x0] =	sbarrier.arrive $0xFFFF  }
0xbe: {  	p0 =	sne.s32 s3, $0x0;
	_ =	strace $0x90000047  }
0xbf: {  	s0 =	sadd.s32 @!p0 $0x100000, s0;
	[bflag:$0x2] =	sbarrier.arrive $0xFFFF  }
0xc0: {  	[sflag:s0] =	ssyncadd.tile.s32 @!p0 $0x1;
	_ =	shalt  }
.Lfunc_end2:
_tile_overlayer_lowered:
.L_overlay_start_2:
0xc1: {  	(tag) =	ssettag $0x2  }
0xc2: {  	s0 =	rddreg [dreg:$0x0];
	s2 =	stileid.u32  }
0xc3: {  	s1 =	rddreg [dreg:$0x1];
	p0 =	sne.s32 s2, $0x0  }
0xc4: {  	s3 =	rddreg [dreg:$0x2];
	[bflag:$0x3] =	sbarrier.arrive $0xFFFF;
	s2 =	simm.s32 @!p0 $0x1C01  }
0xc5: {  	[timem:s3], [sflag:s2] =	dma.local @!p0 [hbm:s0], s1  }
0xc6: {  	s0 =	simm.s32 @!p0 $0x1  }
0xc7: {  	_ =	swait.ge @!p0 [sflag:s0], s1  }
0xc8: {  	s1 =	ssub.s32 @!p0 $0x0, s1;
	[sflag:s0] =	ssyncset.done @!p0 $0x0  }
0xc9: {  	[sflag:s0] =	ssyncadd.s32 @!p0 s1  }
0xca: {  	[bflag:$0x3] =	sbarrier.arrive $0xFFFF  }
0xcb: {  	_ =	shalt  }

</sc_bundles>
